<compile_context>
chip_gen: v7x
topology: tpu7x:2x2x1
jax: 0.10.2.dev20260603
libtpu: 0.0.44.dev20260713+nightly
codegen_flags: <defaults>
</compile_context>

<pallas_src>
import functools

import jax
import jax.numpy as jnp
from jax import lax
from jax.experimental import pallas as pl
from jax.experimental.pallas import tpu as pltpu
from jax.experimental.pallas import tpu_sc as plsc

_V = 100000
_D = 768
_S = 1000
_SPAD = 1024
_B = 4
_T = 2048
_TT = 1024
_NT = _T // _TT
_NEG = -1e9
_NW = 32
_CH = 32
_NBUF = 4
_TRUE_N = _B * _T
_SAMP_N = _B * _SPAD


def _sampled_consts():
    keys = jax.random.split(jax.random.key(42), _B)
    us = jax.vmap(lambda k: jax.random.uniform(k, (_S,), dtype=jnp.float32))(keys)
    s = jnp.exp(us * jnp.log(jnp.float32(_V + 1.0))) - 1.0
    ids = jnp.clip(s.astype(jnp.int32), 0, _V - 1)
    idsf = ids.astype(jnp.float32)
    prob = (jnp.log(idsf + 2.0) - jnp.log(idsf + 1.0)) / jnp.log(jnp.float32(_V + 1.0))
    log_samp_exp = jnp.log(jnp.float32(_S) * prob)
    pad = _SPAD - _S
    ids_g = jnp.pad(ids, ((0, 0), (0, pad)))
    ids_m = jnp.pad(ids, ((0, 0), (0, pad)), constant_values=-1)
    sc0 = jnp.pad(-log_samp_exp, ((0, 0), (0, pad)), constant_values=_NEG)
    return ids_g, ids_m, sc0


def _sc_gather(W, b, lab_ids, samp_ids):
    tpw = _TRUE_N // _NW
    spw = _SAMP_N // _NW
    tch = tpw // _CH
    sch = spw // _CH
    n_ch = tch + sch
    mesh = plsc.VectorSubcoreMesh(core_axis_name="c", subcore_axis_name="s")

    @functools.partial(
        pl.kernel,
        out_type=(jax.ShapeDtypeStruct((_TRUE_N, _D), jnp.float32),
                  jax.ShapeDtypeStruct((_SAMP_N, _D), jnp.float32),
                  jax.ShapeDtypeStruct((_TRUE_N,), jnp.float32),
                  jax.ShapeDtypeStruct((_SAMP_N,), jnp.float32)),
        mesh=mesh,
        scratch_types=[pltpu.VMEM((tpw,), jnp.int32),
                       pltpu.VMEM((spw,), jnp.int32),
                       pltpu.VMEM((_NBUF, _CH, _D), jnp.float32),
                       pltpu.VMEM((tpw,), jnp.float32),
                       pltpu.VMEM((spw,), jnp.float32),
                       pltpu.SemaphoreType.DMA,
                       pltpu.SemaphoreType.DMA,
                       pltpu.SemaphoreType.DMA,
                       pltpu.SemaphoreType.DMA,
                       pltpu.SemaphoreType.DMA,
                       pltpu.SemaphoreType.DMA,
                       pltpu.SemaphoreType.DMA,
                       pltpu.SemaphoreType.DMA,
                       pltpu.SemaphoreType.DMA],
    )
    def k(W_hbm, b_hbm, lab_hbm, samp_hbm, outw_t, outw_s, outb_t, outb_s,
          tix, six, rows, tbr, sbr,
          g0, g1, g2, g3, w0, w1, w2, w3, bsem):
        wid = lax.axis_index("s") * 2 + lax.axis_index("c")
        tbase = wid * tpw
        sbase = wid * spw
        pltpu.sync_copy(lab_hbm.at[pl.ds(tbase, tpw)], tix)
        pltpu.sync_copy(samp_hbm.at[pl.ds(sbase, spw)], six)
        gsems = (g0, g1, g2, g3)
        wsems = (w0, w1, w2, w3)

        def chunk(i):
            if i < tch:
                idx = tix.at[pl.ds(i * _CH, _CH)]
                dst = outw_t.at[pl.ds(tbase + i * _CH, _CH)]
                bsrc = b_hbm.at[idx]
                bdst = tbr.at[pl.ds(i * _CH, _CH)]
            else:
                j = i - tch
                idx = six.at[pl.ds(j * _CH, _CH)]
                dst = outw_s.at[pl.ds(sbase + j * _CH, _CH)]
                bsrc = b_hbm.at[idx]
                bdst = sbr.at[pl.ds(j * _CH, _CH)]
            return idx, dst, bsrc, bdst

        def g_copy(i):
            idx, _, _, _ = chunk(i)
            return pltpu.make_async_copy(W_hbm.at[idx], rows.at[i % _NBUF], gsems[i % _NBUF])

        def w_copy(i):
            _, dst, _, _ = chunk(i)
            return pltpu.make_async_copy(rows.at[i % _NBUF], dst, wsems[i % _NBUF])

        for i in range(_NBUF - 1):
            g_copy(i).start()
        for i in range(n_ch):
            _, dst, bsrc, bdst = chunk(i)
            pltpu.async_copy(bsrc, bdst, bsem)
            g_copy(i).wait()
            w_copy(i).start()
            nxt = i + _NBUF - 1
            if nxt < n_ch:
                w_copy(nxt - _NBUF).wait() if nxt - _NBUF >= 0 else None
                g_copy(nxt).start()
        for i in range(max(0, n_ch - _NBUF), n_ch):
            w_copy(i).wait()

        pltpu.make_async_copy(b_hbm.at[tix], tbr, bsem).wait()
        pltpu.make_async_copy(b_hbm.at[six], sbr, bsem).wait()
        pltpu.sync_copy(tbr, outb_t.at[pl.ds(tbase, tpw)])
        pltpu.sync_copy(sbr, outb_s.at[pl.ds(sbase, spw)])

    return k(W, b, lab_ids, samp_ids)


def _tc_body(x_ref, tw_ref, tb_ref, lab_ref, sw_ref, sid_ref, sc_ref, sb_ref,
             out_ref, xout_ref):
    xb = x_ref[0]
    xout_ref[0] = xb
    twb = tw_ref[0]
    tl = jnp.sum(xb * twb, axis=1, keepdims=True)
    labrow = lab_ref[0]
    labf = labrow.astype(jnp.float32)
    prob = (jnp.log(labf + 2.0) - jnp.log(labf + 1.0)) / jnp.log(jnp.float32(_V + 1.0))
    trow = tb_ref[0] - jnp.log(jnp.float32(_S) * prob)
    tl = tl + trow.T
    swb = sw_ref[0]
    sl = lax.dot_general(xb.astype(jnp.bfloat16), swb.astype(jnp.bfloat16),
                         (((1,), (1,)), ((), ())),
                         preferred_element_type=jnp.float32)
    sl = sl + (sb_ref[0] + sc_ref[0])
    e = jnp.exp(sl)
    e = jnp.where(labrow.T == sid_ref[0], jnp.float32(0.0), e)
    ssum = jnp.sum(e, axis=1, keepdims=True) + jnp.exp(tl)
    xent = jnp.log(ssum) - tl
    out_ref[0] = jnp.sum(xent, axis=0, keepdims=True)


def _tc_loss(x, tw, tb, lab, sw, sid, sc0, sb):
    return pl.pallas_call(
        _tc_body,
        grid=(_B, _NT),
        in_specs=[
            pl.BlockSpec((1, _TT, _D), lambda b, t: (b, t, 0)),
            pl.BlockSpec((1, _TT, _D), lambda b, t: (b, t, 0)),
            pl.BlockSpec((1, 1, _TT), lambda b, t: (b * _NT + t, 0, 0)),
            pl.BlockSpec((1, 1, _TT), lambda b, t: (b * _NT + t, 0, 0)),
            pl.BlockSpec((1, _SPAD, _D), lambda b, t: (b, 0, 0)),
            pl.BlockSpec((1, 1, _SPAD), lambda b, t: (b, 0, 0)),
            pl.BlockSpec((1, 1, _SPAD), lambda b, t: (b, 0, 0)),
            pl.BlockSpec((1, 1, _SPAD), lambda b, t: (b, 0, 0)),
        ],
        out_specs=[
            pl.BlockSpec((1, 1, 1), lambda b, t: (b * _NT + t, 0, 0)),
            pl.BlockSpec((1, _TT, _D), lambda b, t: (b, t, 0)),
        ],
        out_shape=[
            jax.ShapeDtypeStruct((_B * _NT, 1, 1), jnp.float32),
            jax.ShapeDtypeStruct((_B, _T, _D), jnp.float32),
        ],
    )(x, tw, tb, lab, sw, sid, sc0, sb)


def kernel(lstm_outputs, next_token_ids, softmax_W, softmax_b):
    lab = next_token_ids[..., 0].astype(jnp.int32)
    ids_g, ids_m, sc0 = _sampled_consts()
    tw, sw, tbv, sbv = _sc_gather(softmax_W, softmax_b,
                                  lab.reshape(-1), ids_g.reshape(-1))
    partials, x_out = _tc_loss(
        lstm_outputs,
        tw.reshape(_B, _T, _D),
        tbv.reshape(_B * _NT, 1, _TT),
        lab.reshape(_B * _NT, 1, _TT),
        sw.reshape(_B, _SPAD, _D),
        ids_m.reshape(_B, 1, _SPAD),
        sc0.reshape(_B, 1, _SPAD),
        sbv.reshape(_B, 1, _SPAD))
    loss = 0.5 * jnp.sum(partials) / jnp.float32(_B * _T)
    return (x_out, loss)

# --- scband reference (transcript-rebuilt; emitter-appended) ---
"""Pipeline reference for scband-sampled-softmax-42554535969206 (READ-ONLY COPY).

The authoritative reference and input builder live on the scoring server;
editing this copy changes nothing except your own understanding.
"""

import jax, jax.numpy as jnp
import numpy as np

NUM_CLASSES = 100000
NUM_SAMPLED = 1000
B, T, D = 4, 2048, 768


def _log_uniform_sample(key, num_sampled, range_max):
    # tf log_uniform_candidate_sampler: id ~ floor(exp(u * log(range_max+1))) - 1
    u = jax.random.uniform(key, (num_sampled,), dtype=jnp.float32)
    s = jnp.exp(u * jnp.log(jnp.float32(range_max + 1.0))) - 1.0
    return jnp.clip(s.astype(jnp.int32), 0, range_max - 1)


def _log_uniform_prob(ids, range_max):
    idsf = ids.astype(jnp.float32)
    return (jnp.log(idsf + 2.0) - jnp.log(idsf + 1.0)) / jnp.log(jnp.float32(range_max + 1.0))


def setup_inputs(seed: int = 0) -> dict:
    key = jax.random.key(seed)
    k1, k2, k3 = jax.random.split(key, 3)
    lstm_outputs = jax.random.normal(k1, (B, T, D), dtype=jnp.float32)
    next_token_ids = jax.random.randint(k2, (B, T, 1), 0, NUM_CLASSES).astype(jnp.int64)
    # lecun_normal-style init for the softmax projection table
    softmax_W = jax.random.normal(k3, (NUM_CLASSES, D), dtype=jnp.float32) * (1.0 / np.sqrt(D))
    softmax_b = jnp.zeros((NUM_CLASSES,), dtype=jnp.float32)
    return {"lstm_outputs": lstm_outputs, "next_token_ids": next_token_ids,
            "softmax_W": softmax_W, "softmax_b": softmax_b}


def _sampled_softmax_one(inputs, labels, W, b, skey):
    # inputs: [T, D], labels: [T, 1]
    labels_flat = labels[:, 0].astype(jnp.int32)
    sampled = _log_uniform_sample(skey, NUM_SAMPLED, NUM_CLASSES)  # [S]
    true_exp = NUM_SAMPLED * _log_uniform_prob(labels_flat, NUM_CLASSES)  # [T]
    samp_exp = NUM_SAMPLED * _log_uniform_prob(sampled, NUM_CLASSES)      # [S]
    # gather true class rows
    true_w = jnp.take(W, labels_flat, axis=0)        # [T, D]
    true_b = jnp.take(b, labels_flat, axis=0)        # [T]
    true_logits = jnp.sum(inputs * true_w, axis=-1) + true_b - jnp.log(true_exp)
    # gather sampled negative rows
    samp_w = jnp.take(W, sampled, axis=0)            # [S, D]
    samp_b = jnp.take(b, sampled, axis=0)            # [S]
    samp_logits = inputs @ samp_w.T + samp_b[None, :] - jnp.log(samp_exp)[None, :]
    # remove accidental hits (default in tf.nn.sampled_softmax_loss)
    hit = labels_flat[:, None] == sampled[None, :]
    samp_logits = jnp.where(hit, jnp.float32(-1e9), samp_logits)
    out_logits = jnp.concatenate([true_logits[:, None], samp_logits], axis=1)  # [T, 1+S]
    # label is always index 0 -> softmax cross entropy
    xent = jax.nn.logsumexp(out_logits, axis=-1) - out_logits[:, 0]
    return jnp.mean(xent)


def reference(lstm_outputs, next_token_ids, softmax_W, softmax_b):
    nb = lstm_outputs.shape[0]
    keys = jax.random.split(jax.random.key(42), nb)
    losses = jax.vmap(lambda x, y, k: _sampled_softmax_one(x, y, softmax_W, softmax_b, k))(
        lstm_outputs, next_token_ids, keys)  # map_fn over batch
    total_loss = 0.5 * jnp.mean(losses)      # add_loss(0.5 * reduce_mean(losses))
    # sampled path returns lstm_outputs unchanged; loss attached via add_loss
    return (lstm_outputs, total_loss)


if False:  # reference __main__ guard neutralized (emitter)
    inp = setup_inputs()
    out = reference(**inp)
    print(out[0].shape, out[1])

if __name__ == "__main__":
    import jax
    _d = setup_inputs()
    print(jax.jit(kernel)(*tuple(_d.values())))

</pallas_src>

<mosaic_0001>
#map = affine_map<(d0, d1) -> (0, 0)>
#map1 = affine_map<(d0, d1) -> (0)>
module attributes {stable_mosaic.version = 14 : i64} {
  func.func @k(%arg0: i32, %arg1: i32, %arg2: memref<100000x768xf32, #tpu.memory_space<hbm>>, %arg3: memref<100000xf32, #tpu.memory_space<hbm>>, %arg4: memref<8192xi32, #tpu.memory_space<hbm>>, %arg5: memref<4096xi32, #tpu.memory_space<hbm>>, %arg6: memref<8192x768xf32, #tpu.memory_space<hbm>>, %arg7: memref<4096x768xf32, #tpu.memory_space<hbm>>, %arg8: memref<8192xf32, #tpu.memory_space<hbm>>, %arg9: memref<4096xf32, #tpu.memory_space<hbm>>, %arg10: memref<256xi32, #tpu.memory_space<vmem>>, %arg11: memref<128xi32, #tpu.memory_space<vmem>>, %arg12: memref<4x32x768xf32, #tpu.memory_space<vmem>>, %arg13: memref<256xf32, #tpu.memory_space<vmem>>, %arg14: memref<128xf32, #tpu.memory_space<vmem>>, %arg15: memref<!tpu.dma_semaphore, #tpu.memory_space<semaphore_mem>>, %arg16: memref<!tpu.dma_semaphore, #tpu.memory_space<semaphore_mem>>, %arg17: memref<!tpu.dma_semaphore, #tpu.memory_space<semaphore_mem>>, %arg18: memref<!tpu.dma_semaphore, #tpu.memory_space<semaphore_mem>>, %arg19: memref<!tpu.dma_semaphore, #tpu.memory_space<semaphore_mem>>, %arg20: memref<!tpu.dma_semaphore, #tpu.memory_space<semaphore_mem>>, %arg21: memref<!tpu.dma_semaphore, #tpu.memory_space<semaphore_mem>>, %arg22: memref<!tpu.dma_semaphore, #tpu.memory_space<semaphore_mem>>, %arg23: memref<!tpu.dma_semaphore, #tpu.memory_space<semaphore_mem>>) attributes {dimension_semantics = [#tpu.dimension_semantics<core_parallel>, #tpu.dimension_semantics<subcore_parallel>], iteration_bounds = array<i64: 2, 16>, scalar_prefetch = 0 : i64, scratch_operands = 14 : i64, tpu.core_type = #tpu.core_type<sc_vector_subcore>, window_params = [{transform_indices = #map}, {transform_indices = #map1}, {transform_indices = #map1}, {transform_indices = #map1}, {transform_indices = #map}, {transform_indices = #map}, {transform_indices = #map1}, {transform_indices = #map1}]} {
    %mul3A = arith.constant 2 : i32
    %mul3A_0 = arith.muli %arg1, %mul3A : i32
    %add3A = arith.addi %mul3A_0, %arg0 : i32
    %mul3A_1 = arith.constant 256 : i32
    %mul3A_2 = arith.muli %add3A, %mul3A_1 : i32
    %mul3A_3 = arith.constant 128 : i32
    %mul3A_4 = arith.muli %add3A, %mul3A_3 : i32
    "tpu.region"() ({
      %run_scoped3A = tpu.sem_alloc : memref<!tpu.dma_semaphore, #tpu.memory_space<semaphore_mem>>
      %dma_start3A_751 = tpu.memref_slice %arg4[%mul3A_2] : memref<8192xi32, #tpu.memory_space<hbm>> -> memref<256xi32, #tpu.memory_space<hbm>>
      %dma_start3A_752 = tpu.memref_slice %arg4[%mul3A_2] : memref<8192xi32, #tpu.memory_space<hbm>> -> memref<256xi32, #tpu.memory_space<hbm>>
      tpu.enqueue_dma source(%dma_start3A_752 : memref<256xi32, #tpu.memory_space<hbm>>) target(%arg10 : memref<256xi32, #tpu.memory_space<vmem>>) target_semaphore(%run_scoped3A : memref<!tpu.dma_semaphore, #tpu.memory_space<semaphore_mem>>)
      %dma_wait3A_753 = tpu.memref_slice %arg4[%mul3A_2] : memref<8192xi32, #tpu.memory_space<hbm>> -> memref<256xi32, #tpu.memory_space<hbm>>
      %dma_wait3A_754 = tpu.memref_slice %arg4[%mul3A_2] : memref<8192xi32, #tpu.memory_space<hbm>> -> memref<256xi32, #tpu.memory_space<hbm>>
      tpu.wait_dma2 semaphore(%run_scoped3A : memref<!tpu.dma_semaphore, #tpu.memory_space<semaphore_mem>>) src(%dma_wait3A_754 : memref<256xi32, #tpu.memory_space<hbm>>) dst(%arg10 : memref<256xi32, #tpu.memory_space<vmem>>)
      tpu.yield
    }) : () -> ()
    "tpu.region"() ({
      %run_scoped3A = tpu.sem_alloc : memref<!tpu.dma_semaphore, #tpu.memory_space<semaphore_mem>>
      %dma_start3A_751 = tpu.memref_slice %arg5[%mul3A_4] : memref<4096xi32, #tpu.memory_space<hbm>> -> memref<128xi32, #tpu.memory_space<hbm>>
      %dma_start3A_752 = tpu.memref_slice %arg5[%mul3A_4] : memref<4096xi32, #tpu.memory_space<hbm>> -> memref<128xi32, #tpu.memory_space<hbm>>
      tpu.enqueue_dma source(%dma_start3A_752 : memref<128xi32, #tpu.memory_space<hbm>>) target(%arg11 : memref<128xi32, #tpu.memory_space<vmem>>) target_semaphore(%run_scoped3A : memref<!tpu.dma_semaphore, #tpu.memory_space<semaphore_mem>>)
      %dma_wait3A_753 = tpu.memref_slice %arg5[%mul3A_4] : memref<4096xi32, #tpu.memory_space<hbm>> -> memref<128xi32, #tpu.memory_space<hbm>>
      %dma_wait3A_754 = tpu.memref_slice %arg5[%mul3A_4] : memref<4096xi32, #tpu.memory_space<hbm>> -> memref<128xi32, #tpu.memory_space<hbm>>
      tpu.wait_dma2 semaphore(%run_scoped3A : memref<!tpu.dma_semaphore, #tpu.memory_space<semaphore_mem>>) src(%dma_wait3A_754 : memref<128xi32, #tpu.memory_space<hbm>>) dst(%arg11 : memref<128xi32, #tpu.memory_space<vmem>>)
      tpu.yield
    }) : () -> ()
    %add3A_5 = arith.constant 0 : i32
    %add3A_6 = arith.addi %mul3A_2, %add3A_5 : i32
    %dma_start3A = arith.constant 0 : i32
    %dma_start3A_7 = arith.constant 0 : i32
    %dma_start3A_8 = arith.constant 0 : i32
    %dma_start3A_9 = tpu.memref_slice %arg12[%dma_start3A, %dma_start3A_7, %dma_start3A_8] : memref<4x32x768xf32, #tpu.memory_space<vmem>> -> memref<1x32x768xf32, #tpu.memory_space<vmem>>
    %dma_start3A_10 = tpu.memref_squeeze %dma_start3A_9 : memref<1x32x768xf32, #tpu.memory_space<vmem>> -> memref<32x768xf32, #tpu.memory_space<vmem>>
    %dma_start3A_11 = arith.constant 0 : i32
    %dma_start3A_12 = tpu.memref_slice %arg10[%dma_start3A_11] : memref<256xi32, #tpu.memory_space<vmem>> -> memref<32xi32, #tpu.memory_space<vmem>>
    %dma_start3A_13 = arith.constant 0 : i32
    %dma_start3A_14 = arith.constant 0 : i32
    %dma_start3A_15 = tpu.memref_slice %arg2[%dma_start3A_13, %dma_start3A_14] : memref<100000x768xf32, #tpu.memory_space<hbm>> -> memref<100000x768xf32, #tpu.memory_space<hbm>>
    tpu.enqueue_indirect_dma source(%dma_start3A_15 : memref<100000x768xf32, #tpu.memory_space<hbm>>) target(%dma_start3A_10 : memref<32x768xf32, #tpu.memory_space<vmem>>) offsets(%dma_start3A_12 : memref<32xi32, #tpu.memory_space<vmem>>) semaphore(%arg15 : memref<!tpu.dma_semaphore, #tpu.memory_space<semaphore_mem>>)
    %add3A_16 = arith.constant 32 : i32
    %add3A_17 = arith.addi %mul3A_2, %add3A_16 : i32
    %dma_start3A_18 = arith.constant 1 : i32
    %dma_start3A_19 = arith.constant 0 : i32
    %dma_start3A_20 = arith.constant 0 : i32
    %dma_start3A_21 = tpu.memref_slice %arg12[%dma_start3A_18, %dma_start3A_19, %dma_start3A_20] : memref<4x32x768xf32, #tpu.memory_space<vmem>> -> memref<1x32x768xf32, #tpu.memory_space<vmem>>
    %dma_start3A_22 = tpu.memref_squeeze %dma_start3A_21 : memref<1x32x768xf32, #tpu.memory_space<vmem>> -> memref<32x768xf32, #tpu.memory_space<vmem>>
    %dma_start3A_23 = arith.constant 32 : i32
    %dma_start3A_24 = tpu.memref_slice %arg10[%dma_start3A_23] : memref<256xi32, #tpu.memory_space<vmem>> -> memref<32xi32, #tpu.memory_space<vmem>>
    %dma_start3A_25 = arith.constant 0 : i32
    %dma_start3A_26 = arith.constant 0 : i32
    %dma_start3A_27 = tpu.memref_slice %arg2[%dma_start3A_25, %dma_start3A_26] : memref<100000x768xf32, #tpu.memory_space<hbm>> -> memref<100000x768xf32, #tpu.memory_space<hbm>>
    tpu.enqueue_indirect_dma source(%dma_start3A_27 : memref<100000x768xf32, #tpu.memory_space<hbm>>) target(%dma_start3A_22 : memref<32x768xf32, #tpu.memory_space<vmem>>) offsets(%dma_start3A_24 : memref<32xi32, #tpu.memory_space<vmem>>) semaphore(%arg16 : memref<!tpu.dma_semaphore, #tpu.memory_space<semaphore_mem>>)
    %add3A_28 = arith.constant 64 : i32
    %add3A_29 = arith.addi %mul3A_2, %add3A_28 : i32
    %dma_start3A_30 = arith.constant 2 : i32
    %dma_start3A_31 = arith.constant 0 : i32
    %dma_start3A_32 = arith.constant 0 : i32
    %dma_start3A_33 = tpu.memref_slice %arg12[%dma_start3A_30, %dma_start3A_31, %dma_start3A_32] : memref<4x32x768xf32, #tpu.memory_space<vmem>> -> memref<1x32x768xf32, #tpu.memory_space<vmem>>
    %dma_start3A_34 = tpu.memref_squeeze %dma_start3A_33 : memref<1x32x768xf32, #tpu.memory_space<vmem>> -> memref<32x768xf32, #tpu.memory_space<vmem>>
    %dma_start3A_35 = arith.constant 64 : i32
    %dma_start3A_36 = tpu.memref_slice %arg10[%dma_start3A_35] : memref<256xi32, #tpu.memory_space<vmem>> -> memref<32xi32, #tpu.memory_space<vmem>>
    %dma_start3A_37 = arith.constant 0 : i32
    %dma_start3A_38 = arith.constant 0 : i32
    %dma_start3A_39 = tpu.memref_slice %arg2[%dma_start3A_37, %dma_start3A_38] : memref<100000x768xf32, #tpu.memory_space<hbm>> -> memref<100000x768xf32, #tpu.memory_space<hbm>>
    tpu.enqueue_indirect_dma source(%dma_start3A_39 : memref<100000x768xf32, #tpu.memory_space<hbm>>) target(%dma_start3A_34 : memref<32x768xf32, #tpu.memory_space<vmem>>) offsets(%dma_start3A_36 : memref<32xi32, #tpu.memory_space<vmem>>) semaphore(%arg17 : memref<!tpu.dma_semaphore, #tpu.memory_space<semaphore_mem>>)
    %add3A_40 = arith.constant 0 : i32
    %add3A_41 = arith.addi %mul3A_2, %add3A_40 : i32
    %dma_start3A_42 = arith.constant 0 : i32
    %dma_start3A_43 = tpu.memref_slice %arg13[%dma_start3A_42] : memref<256xf32, #tpu.memory_space<vmem>> -> memref<32xf32, #tpu.memory_space<vmem>>
    %dma_start3A_44 = arith.constant 0 : i32
    %dma_start3A_45 = tpu.memref_slice %arg10[%dma_start3A_44] : memref<256xi32, #tpu.memory_space<vmem>> -> memref<32xi32, #tpu.memory_space<vmem>>
    %dma_start3A_46 = arith.constant 0 : i32
    %dma_start3A_47 = tpu.memref_slice %arg3[%dma_start3A_46] : memref<100000xf32, #tpu.memory_space<hbm>> -> memref<100000xf32, #tpu.memory_space<hbm>>
    tpu.enqueue_indirect_dma source(%dma_start3A_47 : memref<100000xf32, #tpu.memory_space<hbm>>) target(%dma_start3A_43 : memref<32xf32, #tpu.memory_space<vmem>>) offsets(%dma_start3A_45 : memref<32xi32, #tpu.memory_space<vmem>>) semaphore(%arg23 : memref<!tpu.dma_semaphore, #tpu.memory_space<semaphore_mem>>)
    %add3A_48 = arith.constant 0 : i32
    %add3A_49 = arith.addi %mul3A_2, %add3A_48 : i32
    %dma_wait3A = arith.constant 0 : i32
    %dma_wait3A_50 = arith.constant 0 : i32
    %dma_wait3A_51 = arith.constant 0 : i32
    %dma_wait3A_52 = tpu.memref_slice %arg12[%dma_wait3A, %dma_wait3A_50, %dma_wait3A_51] : memref<4x32x768xf32, #tpu.memory_space<vmem>> -> memref<1x32x768xf32, #tpu.memory_space<vmem>>
    %dma_wait3A_53 = tpu.memref_squeeze %dma_wait3A_52 : memref<1x32x768xf32, #tpu.memory_space<vmem>> -> memref<32x768xf32, #tpu.memory_space<vmem>>
    %dma_wait3A_54 = arith.constant 0 : i32
    %dma_wait3A_55 = tpu.memref_slice %arg10[%dma_wait3A_54] : memref<256xi32, #tpu.memory_space<vmem>> -> memref<32xi32, #tpu.memory_space<vmem>>
    %dma_wait3A_56 = arith.constant 0 : i32
    %dma_wait3A_57 = arith.constant 0 : i32
    %dma_wait3A_58 = tpu.memref_slice %arg2[%dma_wait3A_56, %dma_wait3A_57] : memref<100000x768xf32, #tpu.memory_space<hbm>> -> memref<100000x768xf32, #tpu.memory_space<hbm>>
    tpu.wait_indirect_dma semaphore(%arg15 : memref<!tpu.dma_semaphore, #tpu.memory_space<semaphore_mem>>) src(%dma_wait3A_58 : memref<100000x768xf32, #tpu.memory_space<hbm>>) dst(%dma_wait3A_53 : memref<32x768xf32, #tpu.memory_space<vmem>>)
    %add3A_59 = arith.constant 0 : i32
    %add3A_60 = arith.addi %mul3A_2, %add3A_59 : i32
    %dma_start3A_61 = arith.constant 0 : i32
    %dma_start3A_62 = arith.constant 0 : i32
    %dma_start3A_63 = arith.constant 0 : i32
    %dma_start3A_64 = tpu.memref_slice %arg12[%dma_start3A_61, %dma_start3A_62, %dma_start3A_63] : memref<4x32x768xf32, #tpu.memory_space<vmem>> -> memref<1x32x768xf32, #tpu.memory_space<vmem>>
    %dma_start3A_65 = tpu.memref_squeeze %dma_start3A_64 : memref<1x32x768xf32, #tpu.memory_space<vmem>> -> memref<32x768xf32, #tpu.memory_space<vmem>>
    %dma_start3A_66 = arith.constant 0 : i32
    %dma_start3A_67 = tpu.memref_slice %arg6[%add3A_60, %dma_start3A_66] : memref<8192x768xf32, #tpu.memory_space<hbm>> -> memref<32x768xf32, #tpu.memory_space<hbm>>
    %dma_start3A_68 = arith.constant 0 : i32
    %dma_start3A_69 = tpu.memref_slice %arg6[%add3A_60, %dma_start3A_68] : memref<8192x768xf32, #tpu.memory_space<hbm>> -> memref<32x768xf32, #tpu.memory_space<hbm>>
    %dma_start3A_70 = arith.constant 0 : i32
    %dma_start3A_71 = arith.constant 0 : i32
    %dma_start3A_72 = tpu.memref_slice %arg12[%dma_start3A_61, %dma_start3A_70, %dma_start3A_71] : memref<4x32x768xf32, #tpu.memory_space<vmem>> -> memref<1x32x768xf32, #tpu.memory_space<vmem>>
    %dma_start3A_73 = tpu.memref_squeeze %dma_start3A_72 : memref<1x32x768xf32, #tpu.memory_space<vmem>> -> memref<32x768xf32, #tpu.memory_space<vmem>>
    tpu.enqueue_dma source(%dma_start3A_73 : memref<32x768xf32, #tpu.memory_space<vmem>>) target(%dma_start3A_69 : memref<32x768xf32, #tpu.memory_space<hbm>>) target_semaphore(%arg19 : memref<!tpu.dma_semaphore, #tpu.memory_space<semaphore_mem>>)
    %add3A_74 = arith.constant 96 : i32
    %add3A_75 = arith.addi %mul3A_2, %add3A_74 : i32
    %dma_start3A_76 = arith.constant 3 : i32
    %dma_start3A_77 = arith.constant 0 : i32
    %dma_start3A_78 = arith.constant 0 : i32
    %dma_start3A_79 = tpu.memref_slice %arg12[%dma_start3A_76, %dma_start3A_77, %dma_start3A_78] : memref<4x32x768xf32, #tpu.memory_space<vmem>> -> memref<1x32x768xf32, #tpu.memory_space<vmem>>
    %dma_start3A_80 = tpu.memref_squeeze %dma_start3A_79 : memref<1x32x768xf32, #tpu.memory_space<vmem>> -> memref<32x768xf32, #tpu.memory_space<vmem>>
    %dma_start3A_81 = arith.constant 96 : i32
    %dma_start3A_82 = tpu.memref_slice %arg10[%dma_start3A_81] : memref<256xi32, #tpu.memory_space<vmem>> -> memref<32xi32, #tpu.memory_space<vmem>>
    %dma_start3A_83 = arith.constant 0 : i32
    %dma_start3A_84 = arith.constant 0 : i32
    %dma_start3A_85 = tpu.memref_slice %arg2[%dma_start3A_83, %dma_start3A_84] : memref<100000x768xf32, #tpu.memory_space<hbm>> -> memref<100000x768xf32, #tpu.memory_space<hbm>>
    tpu.enqueue_indirect_dma source(%dma_start3A_85 : memref<100000x768xf32, #tpu.memory_space<hbm>>) target(%dma_start3A_80 : memref<32x768xf32, #tpu.memory_space<vmem>>) offsets(%dma_start3A_82 : memref<32xi32, #tpu.memory_space<vmem>>) semaphore(%arg18 : memref<!tpu.dma_semaphore, #tpu.memory_space<semaphore_mem>>)
    %add3A_86 = arith.constant 32 : i32
    %add3A_87 = arith.addi %mul3A_2, %add3A_86 : i32
    %dma_start3A_88 = arith.constant 32 : i32
    %dma_start3A_89 = tpu.memref_slice %arg13[%dma_start3A_88] : memref<256xf32, #tpu.memory_space<vmem>> -> memref<32xf32, #tpu.memory_space<vmem>>
    %dma_start3A_90 = arith.constant 32 : i32
    %dma_start3A_91 = tpu.memref_slice %arg10[%dma_start3A_90] : memref<256xi32, #tpu.memory_space<vmem>> -> memref<32xi32, #tpu.memory_space<vmem>>
    %dma_start3A_92 = arith.constant 0 : i32
    %dma_start3A_93 = tpu.memref_slice %arg3[%dma_start3A_92] : memref<100000xf32, #tpu.memory_space<hbm>> -> memref<100000xf32, #tpu.memory_space<hbm>>
    tpu.enqueue_indirect_dma source(%dma_start3A_93 : memref<100000xf32, #tpu.memory_space<hbm>>) target(%dma_start3A_89 : memref<32xf32, #tpu.memory_space<vmem>>) offsets(%dma_start3A_91 : memref<32xi32, #tpu.memory_space<vmem>>) semaphore(%arg23 : memref<!tpu.dma_semaphore, #tpu.memory_space<semaphore_mem>>)
    %add3A_94 = arith.constant 32 : i32
    %add3A_95 = arith.addi %mul3A_2, %add3A_94 : i32
    %dma_wait3A_96 = arith.constant 1 : i32
    %dma_wait3A_97 = arith.constant 0 : i32
    %dma_wait3A_98 = arith.constant 0 : i32
    %dma_wait3A_99 = tpu.memref_slice %arg12[%dma_wait3A_96, %dma_wait3A_97, %dma_wait3A_98] : memref<4x32x768xf32, #tpu.memory_space<vmem>> -> memref<1x32x768xf32, #tpu.memory_space<vmem>>
    %dma_wait3A_100 = tpu.memref_squeeze %dma_wait3A_99 : memref<1x32x768xf32, #tpu.memory_space<vmem>> -> memref<32x768xf32, #tpu.memory_space<vmem>>
    %dma_wait3A_101 = arith.constant 32 : i32
    %dma_wait3A_102 = tpu.memref_slice %arg10[%dma_wait3A_101] : memref<256xi32, #tpu.memory_space<vmem>> -> memref<32xi32, #tpu.memory_space<vmem>>
    %dma_wait3A_103 = arith.constant 0 : i32
    %dma_wait3A_104 = arith.constant 0 : i32
    %dma_wait3A_105 = tpu.memref_slice %arg2[%dma_wait3A_103, %dma_wait3A_104] : memref<100000x768xf32, #tpu.memory_space<hbm>> -> memref<100000x768xf32, #tpu.memory_space<hbm>>
    tpu.wait_indirect_dma semaphore(%arg16 : memref<!tpu.dma_semaphore, #tpu.memory_space<semaphore_mem>>) src(%dma_wait3A_105 : memref<100000x768xf32, #tpu.memory_space<hbm>>) dst(%dma_wait3A_100 : memref<32x768xf32, #tpu.memory_space<vmem>>)
    %add3A_106 = arith.constant 32 : i32
    %add3A_107 = arith.addi %mul3A_2, %add3A_106 : i32
    %dma_start3A_108 = arith.constant 1 : i32
    %dma_start3A_109 = arith.constant 0 : i32
    %dma_start3A_110 = arith.constant 0 : i32
    %dma_start3A_111 = tpu.memref_slice %arg12[%dma_start3A_108, %dma_start3A_109, %dma_start3A_110] : memref<4x32x768xf32, #tpu.memory_space<vmem>> -> memref<1x32x768xf32, #tpu.memory_space<vmem>>
    %dma_start3A_112 = tpu.memref_squeeze %dma_start3A_111 : memref<1x32x768xf32, #tpu.memory_space<vmem>> -> memref<32x768xf32, #tpu.memory_space<vmem>>
    %dma_start3A_113 = arith.constant 0 : i32
    %dma_start3A_114 = tpu.memref_slice %arg6[%add3A_107, %dma_start3A_113] : memref<8192x768xf32, #tpu.memory_space<hbm>> -> memref<32x768xf32, #tpu.memory_space<hbm>>
    %dma_start3A_115 = arith.constant 0 : i32
    %dma_start3A_116 = tpu.memref_slice %arg6[%add3A_107, %dma_start3A_115] : memref<8192x768xf32, #tpu.memory_space<hbm>> -> memref<32x768xf32, #tpu.memory_space<hbm>>
    %dma_start3A_117 = arith.constant 0 : i32
    %dma_start3A_118 = arith.constant 0 : i32
    %dma_start3A_119 = tpu.memref_slice %arg12[%dma_start3A_108, %dma_start3A_117, %dma_start3A_118] : memref<4x32x768xf32, #tpu.memory_space<vmem>> -> memref<1x32x768xf32, #tpu.memory_space<vmem>>
    %dma_start3A_120 = tpu.memref_squeeze %dma_start3A_119 : memref<1x32x768xf32, #tpu.memory_space<vmem>> -> memref<32x768xf32, #tpu.memory_space<vmem>>
    tpu.enqueue_dma source(%dma_start3A_120 : memref<32x768xf32, #tpu.memory_space<vmem>>) target(%dma_start3A_116 : memref<32x768xf32, #tpu.memory_space<hbm>>) target_semaphore(%arg20 : memref<!tpu.dma_semaphore, #tpu.memory_space<semaphore_mem>>)
    %add3A_121 = arith.constant 0 : i32
    %add3A_122 = arith.addi %mul3A_2, %add3A_121 : i32
    %dma_wait3A_123 = arith.constant 0 : i32
    %dma_wait3A_124 = arith.constant 0 : i32
    %dma_wait3A_125 = arith.constant 0 : i32
    %dma_wait3A_126 = tpu.memref_slice %arg12[%dma_wait3A_123, %dma_wait3A_124, %dma_wait3A_125] : memref<4x32x768xf32, #tpu.memory_space<vmem>> -> memref<1x32x768xf32, #tpu.memory_space<vmem>>
    %dma_wait3A_127 = tpu.memref_squeeze %dma_wait3A_126 : memref<1x32x768xf32, #tpu.memory_space<vmem>> -> memref<32x768xf32, #tpu.memory_space<vmem>>
    %dma_wait3A_128 = arith.constant 0 : i32
    %dma_wait3A_129 = tpu.memref_slice %arg6[%add3A_122, %dma_wait3A_128] : memref<8192x768xf32, #tpu.memory_space<hbm>> -> memref<32x768xf32, #tpu.memory_space<hbm>>
    %dma_wait3A_130 = arith.constant 0 : i32
    %dma_wait3A_131 = tpu.memref_slice %arg6[%add3A_122, %dma_wait3A_130] : memref<8192x768xf32, #tpu.memory_space<hbm>> -> memref<32x768xf32, #tpu.memory_space<hbm>>
    %dma_wait3A_132 = arith.constant 0 : i32
    %dma_wait3A_133 = arith.constant 0 : i32
    %dma_wait3A_134 = tpu.memref_slice %arg12[%dma_wait3A_123, %dma_wait3A_132, %dma_wait3A_133] : memref<4x32x768xf32, #tpu.memory_space<vmem>> -> memref<1x32x768xf32, #tpu.memory_space<vmem>>
    %dma_wait3A_135 = tpu.memref_squeeze %dma_wait3A_134 : memref<1x32x768xf32, #tpu.memory_space<vmem>> -> memref<32x768xf32, #tpu.memory_space<vmem>>
    tpu.wait_dma2 semaphore(%arg19 : memref<!tpu.dma_semaphore, #tpu.memory_space<semaphore_mem>>) src(%dma_wait3A_135 : memref<32x768xf32, #tpu.memory_space<vmem>>) dst(%dma_wait3A_131 : memref<32x768xf32, #tpu.memory_space<hbm>>)
    %add3A_136 = arith.constant 128 : i32
    %add3A_137 = arith.addi %mul3A_2, %add3A_136 : i32
    %dma_start3A_138 = arith.constant 0 : i32
    %dma_start3A_139 = arith.constant 0 : i32
    %dma_start3A_140 = arith.constant 0 : i32
    %dma_start3A_141 = tpu.memref_slice %arg12[%dma_start3A_138, %dma_start3A_139, %dma_start3A_140] : memref<4x32x768xf32, #tpu.memory_space<vmem>> -> memref<1x32x768xf32, #tpu.memory_space<vmem>>
    %dma_start3A_142 = tpu.memref_squeeze %dma_start3A_141 : memref<1x32x768xf32, #tpu.memory_space<vmem>> -> memref<32x768xf32, #tpu.memory_space<vmem>>
    %dma_start3A_143 = arith.constant 128 : i32
    %dma_start3A_144 = tpu.memref_slice %arg10[%dma_start3A_143] : memref<256xi32, #tpu.memory_space<vmem>> -> memref<32xi32, #tpu.memory_space<vmem>>
    %dma_start3A_145 = arith.constant 0 : i32
    %dma_start3A_146 = arith.constant 0 : i32
    %dma_start3A_147 = tpu.memref_slice %arg2[%dma_start3A_145, %dma_start3A_146] : memref<100000x768xf32, #tpu.memory_space<hbm>> -> memref<100000x768xf32, #tpu.memory_space<hbm>>
    tpu.enqueue_indirect_dma source(%dma_start3A_147 : memref<100000x768xf32, #tpu.memory_space<hbm>>) target(%dma_start3A_142 : memref<32x768xf32, #tpu.memory_space<vmem>>) offsets(%dma_start3A_144 : memref<32xi32, #tpu.memory_space<vmem>>) semaphore(%arg15 : memref<!tpu.dma_semaphore, #tpu.memory_space<semaphore_mem>>)
    %add3A_148 = arith.constant 64 : i32
    %add3A_149 = arith.addi %mul3A_2, %add3A_148 : i32
    %dma_start3A_150 = arith.constant 64 : i32
    %dma_start3A_151 = tpu.memref_slice %arg13[%dma_start3A_150] : memref<256xf32, #tpu.memory_space<vmem>> -> memref<32xf32, #tpu.memory_space<vmem>>
    %dma_start3A_152 = arith.constant 64 : i32
    %dma_start3A_153 = tpu.memref_slice %arg10[%dma_start3A_152] : memref<256xi32, #tpu.memory_space<vmem>> -> memref<32xi32, #tpu.memory_space<vmem>>
    %dma_start3A_154 = arith.constant 0 : i32
    %dma_start3A_155 = tpu.memref_slice %arg3[%dma_start3A_154] : memref<100000xf32, #tpu.memory_space<hbm>> -> memref<100000xf32, #tpu.memory_space<hbm>>
    tpu.enqueue_indirect_dma source(%dma_start3A_155 : memref<100000xf32, #tpu.memory_space<hbm>>) target(%dma_start3A_151 : memref<32xf32, #tpu.memory_space<vmem>>) offsets(%dma_start3A_153 : memref<32xi32, #tpu.memory_space<vmem>>) semaphore(%arg23 : memref<!tpu.dma_semaphore, #tpu.memory_space<semaphore_mem>>)
    %add3A_156 = arith.constant 64 : i32
    %add3A_157 = arith.addi %mul3A_2, %add3A_156 : i32
    %dma_wait3A_158 = arith.constant 2 : i32
    %dma_wait3A_159 = arith.constant 0 : i32
    %dma_wait3A_160 = arith.constant 0 : i32
    %dma_wait3A_161 = tpu.memref_slice %arg12[%dma_wait3A_158, %dma_wait3A_159, %dma_wait3A_160] : memref<4x32x768xf32, #tpu.memory_space<vmem>> -> memref<1x32x768xf32, #tpu.memory_space<vmem>>
    %dma_wait3A_162 = tpu.memref_squeeze %dma_wait3A_161 : memref<1x32x768xf32, #tpu.memory_space<vmem>> -> memref<32x768xf32, #tpu.memory_space<vmem>>
    %dma_wait3A_163 = arith.constant 64 : i32
    %dma_wait3A_164 = tpu.memref_slice %arg10[%dma_wait3A_163] : memref<256xi32, #tpu.memory_space<vmem>> -> memref<32xi32, #tpu.memory_space<vmem>>
    %dma_wait3A_165 = arith.constant 0 : i32
    %dma_wait3A_166 = arith.constant 0 : i32
    %dma_wait3A_167 = tpu.memref_slice %arg2[%dma_wait3A_165, %dma_wait3A_166] : memref<100000x768xf32, #tpu.memory_space<hbm>> -> memref<100000x768xf32, #tpu.memory_space<hbm>>
    tpu.wait_indirect_dma semaphore(%arg17 : memref<!tpu.dma_semaphore, #tpu.memory_space<semaphore_mem>>) src(%dma_wait3A_167 : memref<100000x768xf32, #tpu.memory_space<hbm>>) dst(%dma_wait3A_162 : memref<32x768xf32, #tpu.memory_space<vmem>>)
    %add3A_168 = arith.constant 64 : i32
    %add3A_169 = arith.addi %mul3A_2, %add3A_168 : i32
    %dma_start3A_170 = arith.constant 2 : i32
    %dma_start3A_171 = arith.constant 0 : i32
    %dma_start3A_172 = arith.constant 0 : i32
    %dma_start3A_173 = tpu.memref_slice %arg12[%dma_start3A_170, %dma_start3A_171, %dma_start3A_172] : memref<4x32x768xf32, #tpu.memory_space<vmem>> -> memref<1x32x768xf32, #tpu.memory_space<vmem>>
    %dma_start3A_174 = tpu.memref_squeeze %dma_start3A_173 : memref<1x32x768xf32, #tpu.memory_space<vmem>> -> memref<32x768xf32, #tpu.memory_space<vmem>>
    %dma_start3A_175 = arith.constant 0 : i32
    %dma_start3A_176 = tpu.memref_slice %arg6[%add3A_169, %dma_start3A_175] : memref<8192x768xf32, #tpu.memory_space<hbm>> -> memref<32x768xf32, #tpu.memory_space<hbm>>
    %dma_start3A_177 = arith.constant 0 : i32
    %dma_start3A_178 = tpu.memref_slice %arg6[%add3A_169, %dma_start3A_177] : memref<8192x768xf32, #tpu.memory_space<hbm>> -> memref<32x768xf32, #tpu.memory_space<hbm>>
    %dma_start3A_179 = arith.constant 0 : i32
    %dma_start3A_180 = arith.constant 0 : i32
    %dma_start3A_181 = tpu.memref_slice %arg12[%dma_start3A_170, %dma_start3A_179, %dma_start3A_180] : memref<4x32x768xf32, #tpu.memory_space<vmem>> -> memref<1x32x768xf32, #tpu.memory_space<vmem>>
    %dma_start3A_182 = tpu.memref_squeeze %dma_start3A_181 : memref<1x32x768xf32, #tpu.memory_space<vmem>> -> memref<32x768xf32, #tpu.memory_space<vmem>>
    tpu.enqueue_dma source(%dma_start3A_182 : memref<32x768xf32, #tpu.memory_space<vmem>>) target(%dma_start3A_178 : memref<32x768xf32, #tpu.memory_space<hbm>>) target_semaphore(%arg21 : memref<!tpu.dma_semaphore, #tpu.memory_space<semaphore_mem>>)
    %add3A_183 = arith.constant 32 : i32
    %add3A_184 = arith.addi %mul3A_2, %add3A_183 : i32
    %dma_wait3A_185 = arith.constant 1 : i32
    %dma_wait3A_186 = arith.constant 0 : i32
    %dma_wait3A_187 = arith.constant 0 : i32
    %dma_wait3A_188 = tpu.memref_slice %arg12[%dma_wait3A_185, %dma_wait3A_186, %dma_wait3A_187] : memref<4x32x768xf32, #tpu.memory_space<vmem>> -> memref<1x32x768xf32, #tpu.memory_space<vmem>>
    %dma_wait3A_189 = tpu.memref_squeeze %dma_wait3A_188 : memref<1x32x768xf32, #tpu.memory_space<vmem>> -> memref<32x768xf32, #tpu.memory_space<vmem>>
    %dma_wait3A_190 = arith.constant 0 : i32
    %dma_wait3A_191 = tpu.memref_slice %arg6[%add3A_184, %dma_wait3A_190] : memref<8192x768xf32, #tpu.memory_space<hbm>> -> memref<32x768xf32, #tpu.memory_space<hbm>>
    %dma_wait3A_192 = arith.constant 0 : i32
    %dma_wait3A_193 = tpu.memref_slice %arg6[%add3A_184, %dma_wait3A_192] : memref<8192x768xf32, #tpu.memory_space<hbm>> -> memref<32x768xf32, #tpu.memory_space<hbm>>
    %dma_wait3A_194 = arith.constant 0 : i32
    %dma_wait3A_195 = arith.constant 0 : i32
    %dma_wait3A_196 = tpu.memref_slice %arg12[%dma_wait3A_185, %dma_wait3A_194, %dma_wait3A_195] : memref<4x32x768xf32, #tpu.memory_space<vmem>> -> memref<1x32x768xf32, #tpu.memory_space<vmem>>
    %dma_wait3A_197 = tpu.memref_squeeze %dma_wait3A_196 : memref<1x32x768xf32, #tpu.memory_space<vmem>> -> memref<32x768xf32, #tpu.memory_space<vmem>>
    tpu.wait_dma2 semaphore(%arg20 : memref<!tpu.dma_semaphore, #tpu.memory_space<semaphore_mem>>) src(%dma_wait3A_197 : memref<32x768xf32, #tpu.memory_space<vmem>>) dst(%dma_wait3A_193 : memref<32x768xf32, #tpu.memory_space<hbm>>)
    %add3A_198 = arith.constant 160 : i32
    %add3A_199 = arith.addi %mul3A_2, %add3A_198 : i32
    %dma_start3A_200 = arith.constant 1 : i32
    %dma_start3A_201 = arith.constant 0 : i32
    %dma_start3A_202 = arith.constant 0 : i32
    %dma_start3A_203 = tpu.memref_slice %arg12[%dma_start3A_200, %dma_start3A_201, %dma_start3A_202] : memref<4x32x768xf32, #tpu.memory_space<vmem>> -> memref<1x32x768xf32, #tpu.memory_space<vmem>>
    %dma_start3A_204 = tpu.memref_squeeze %dma_start3A_203 : memref<1x32x768xf32, #tpu.memory_space<vmem>> -> memref<32x768xf32, #tpu.memory_space<vmem>>
    %dma_start3A_205 = arith.constant 160 : i32
    %dma_start3A_206 = tpu.memref_slice %arg10[%dma_start3A_205] : memref<256xi32, #tpu.memory_space<vmem>> -> memref<32xi32, #tpu.memory_space<vmem>>
    %dma_start3A_207 = arith.constant 0 : i32
    %dma_start3A_208 = arith.constant 0 : i32
    %dma_start3A_209 = tpu.memref_slice %arg2[%dma_start3A_207, %dma_start3A_208] : memref<100000x768xf32, #tpu.memory_space<hbm>> -> memref<100000x768xf32, #tpu.memory_space<hbm>>
    tpu.enqueue_indirect_dma source(%dma_start3A_209 : memref<100000x768xf32, #tpu.memory_space<hbm>>) target(%dma_start3A_204 : memref<32x768xf32, #tpu.memory_space<vmem>>) offsets(%dma_start3A_206 : memref<32xi32, #tpu.memory_space<vmem>>) semaphore(%arg16 : memref<!tpu.dma_semaphore, #tpu.memory_space<semaphore_mem>>)
    %add3A_210 = arith.constant 96 : i32
    %add3A_211 = arith.addi %mul3A_2, %add3A_210 : i32
    %dma_start3A_212 = arith.constant 96 : i32
    %dma_start3A_213 = tpu.memref_slice %arg13[%dma_start3A_212] : memref<256xf32, #tpu.memory_space<vmem>> -> memref<32xf32, #tpu.memory_space<vmem>>
    %dma_start3A_214 = arith.constant 96 : i32
    %dma_start3A_215 = tpu.memref_slice %arg10[%dma_start3A_214] : memref<256xi32, #tpu.memory_space<vmem>> -> memref<32xi32, #tpu.memory_space<vmem>>
    %dma_start3A_216 = arith.constant 0 : i32
    %dma_start3A_217 = tpu.memref_slice %arg3[%dma_start3A_216] : memref<100000xf32, #tpu.memory_space<hbm>> -> memref<100000xf32, #tpu.memory_space<hbm>>
    tpu.enqueue_indirect_dma source(%dma_start3A_217 : memref<100000xf32, #tpu.memory_space<hbm>>) target(%dma_start3A_213 : memref<32xf32, #tpu.memory_space<vmem>>) offsets(%dma_start3A_215 : memref<32xi32, #tpu.memory_space<vmem>>) semaphore(%arg23 : memref<!tpu.dma_semaphore, #tpu.memory_space<semaphore_mem>>)
    %add3A_218 = arith.constant 96 : i32
    %add3A_219 = arith.addi %mul3A_2, %add3A_218 : i32
    %dma_wait3A_220 = arith.constant 3 : i32
    %dma_wait3A_221 = arith.constant 0 : i32
    %dma_wait3A_222 = arith.constant 0 : i32
    %dma_wait3A_223 = tpu.memref_slice %arg12[%dma_wait3A_220, %dma_wait3A_221, %dma_wait3A_222] : memref<4x32x768xf32, #tpu.memory_space<vmem>> -> memref<1x32x768xf32, #tpu.memory_space<vmem>>
    %dma_wait3A_224 = tpu.memref_squeeze %dma_wait3A_223 : memref<1x32x768xf32, #tpu.memory_space<vmem>> -> memref<32x768xf32, #tpu.memory_space<vmem>>
    %dma_wait3A_225 = arith.constant 96 : i32
    %dma_wait3A_226 = tpu.memref_slice %arg10[%dma_wait3A_225] : memref<256xi32, #tpu.memory_space<vmem>> -> memref<32xi32, #tpu.memory_space<vmem>>
    %dma_wait3A_227 = arith.constant 0 : i32
    %dma_wait3A_228 = arith.constant 0 : i32
    %dma_wait3A_229 = tpu.memref_slice %arg2[%dma_wait3A_227, %dma_wait3A_228] : memref<100000x768xf32, #tpu.memory_space<hbm>> -> memref<100000x768xf32, #tpu.memory_space<hbm>>
    tpu.wait_indirect_dma semaphore(%arg18 : memref<!tpu.dma_semaphore, #tpu.memory_space<semaphore_mem>>) src(%dma_wait3A_229 : memref<100000x768xf32, #tpu.memory_space<hbm>>) dst(%dma_wait3A_224 : memref<32x768xf32, #tpu.memory_space<vmem>>)
    %add3A_230 = arith.constant 96 : i32
    %add3A_231 = arith.addi %mul3A_2, %add3A_230 : i32
    %dma_start3A_232 = arith.constant 3 : i32
    %dma_start3A_233 = arith.constant 0 : i32
    %dma_start3A_234 = arith.constant 0 : i32
    %dma_start3A_235 = tpu.memref_slice %arg12[%dma_start3A_232, %dma_start3A_233, %dma_start3A_234] : memref<4x32x768xf32, #tpu.memory_space<vmem>> -> memref<1x32x768xf32, #tpu.memory_space<vmem>>
    %dma_start3A_236 = tpu.memref_squeeze %dma_start3A_235 : memref<1x32x768xf32, #tpu.memory_space<vmem>> -> memref<32x768xf32, #tpu.memory_space<vmem>>
    %dma_start3A_237 = arith.constant 0 : i32
    %dma_start3A_238 = tpu.memref_slice %arg6[%add3A_231, %dma_start3A_237] : memref<8192x768xf32, #tpu.memory_space<hbm>> -> memref<32x768xf32, #tpu.memory_space<hbm>>
    %dma_start3A_239 = arith.constant 0 : i32
    %dma_start3A_240 = tpu.memref_slice %arg6[%add3A_231, %dma_start3A_239] : memref<8192x768xf32, #tpu.memory_space<hbm>> -> memref<32x768xf32, #tpu.memory_space<hbm>>
    %dma_start3A_241 = arith.constant 0 : i32
    %dma_start3A_242 = arith.constant 0 : i32
    %dma_start3A_243 = tpu.memref_slice %arg12[%dma_start3A_232, %dma_start3A_241, %dma_start3A_242] : memref<4x32x768xf32, #tpu.memory_space<vmem>> -> memref<1x32x768xf32, #tpu.memory_space<vmem>>
    %dma_start3A_244 = tpu.memref_squeeze %dma_start3A_243 : memref<1x32x768xf32, #tpu.memory_space<vmem>> -> memref<32x768xf32, #tpu.memory_space<vmem>>
    tpu.enqueue_dma source(%dma_start3A_244 : memref<32x768xf32, #tpu.memory_space<vmem>>) target(%dma_start3A_240 : memref<32x768xf32, #tpu.memory_space<hbm>>) target_semaphore(%arg22 : memref<!tpu.dma_semaphore, #tpu.memory_space<semaphore_mem>>)
    %add3A_245 = arith.constant 64 : i32
    %add3A_246 = arith.addi %mul3A_2, %add3A_245 : i32
    %dma_wait3A_247 = arith.constant 2 : i32
    %dma_wait3A_248 = arith.constant 0 : i32
    %dma_wait3A_249 = arith.constant 0 : i32
    %dma_wait3A_250 = tpu.memref_slice %arg12[%dma_wait3A_247, %dma_wait3A_248, %dma_wait3A_249] : memref<4x32x768xf32, #tpu.memory_space<vmem>> -> memref<1x32x768xf32, #tpu.memory_space<vmem>>
    %dma_wait3A_251 = tpu.memref_squeeze %dma_wait3A_250 : memref<1x32x768xf32, #tpu.memory_space<vmem>> -> memref<32x768xf32, #tpu.memory_space<vmem>>
    %dma_wait3A_252 = arith.constant 0 : i32
    %dma_wait3A_253 = tpu.memref_slice %arg6[%add3A_246, %dma_wait3A_252] : memref<8192x768xf32, #tpu.memory_space<hbm>> -> memref<32x768xf32, #tpu.memory_space<hbm>>
    %dma_wait3A_254 = arith.constant 0 : i32
    %dma_wait3A_255 = tpu.memref_slice %arg6[%add3A_246, %dma_wait3A_254] : memref<8192x768xf32, #tpu.memory_space<hbm>> -> memref<32x768xf32, #tpu.memory_space<hbm>>
    %dma_wait3A_256 = arith.constant 0 : i32
    %dma_wait3A_257 = arith.constant 0 : i32
    %dma_wait3A_258 = tpu.memref_slice %arg12[%dma_wait3A_247, %dma_wait3A_256, %dma_wait3A_257] : memref<4x32x768xf32, #tpu.memory_space<vmem>> -> memref<1x32x768xf32, #tpu.memory_space<vmem>>
    %dma_wait3A_259 = tpu.memref_squeeze %dma_wait3A_258 : memref<1x32x768xf32, #tpu.memory_space<vmem>> -> memref<32x768xf32, #tpu.memory_space<vmem>>
    tpu.wait_dma2 semaphore(%arg21 : memref<!tpu.dma_semaphore, #tpu.memory_space<semaphore_mem>>) src(%dma_wait3A_259 : memref<32x768xf32, #tpu.memory_space<vmem>>) dst(%dma_wait3A_255 : memref<32x768xf32, #tpu.memory_space<hbm>>)
    %add3A_260 = arith.constant 192 : i32
    %add3A_261 = arith.addi %mul3A_2, %add3A_260 : i32
    %dma_start3A_262 = arith.constant 2 : i32
    %dma_start3A_263 = arith.constant 0 : i32
    %dma_start3A_264 = arith.constant 0 : i32
    %dma_start3A_265 = tpu.memref_slice %arg12[%dma_start3A_262, %dma_start3A_263, %dma_start3A_264] : memref<4x32x768xf32, #tpu.memory_space<vmem>> -> memref<1x32x768xf32, #tpu.memory_space<vmem>>
    %dma_start3A_266 = tpu.memref_squeeze %dma_start3A_265 : memref<1x32x768xf32, #tpu.memory_space<vmem>> -> memref<32x768xf32, #tpu.memory_space<vmem>>
    %dma_start3A_267 = arith.constant 192 : i32
    %dma_start3A_268 = tpu.memref_slice %arg10[%dma_start3A_267] : memref<256xi32, #tpu.memory_space<vmem>> -> memref<32xi32, #tpu.memory_space<vmem>>
    %dma_start3A_269 = arith.constant 0 : i32
    %dma_start3A_270 = arith.constant 0 : i32
    %dma_start3A_271 = tpu.memref_slice %arg2[%dma_start3A_269, %dma_start3A_270] : memref<100000x768xf32, #tpu.memory_space<hbm>> -> memref<100000x768xf32, #tpu.memory_space<hbm>>
    tpu.enqueue_indirect_dma source(%dma_start3A_271 : memref<100000x768xf32, #tpu.memory_space<hbm>>) target(%dma_start3A_266 : memref<32x768xf32, #tpu.memory_space<vmem>>) offsets(%dma_start3A_268 : memref<32xi32, #tpu.memory_space<vmem>>) semaphore(%arg17 : memref<!tpu.dma_semaphore, #tpu.memory_space<semaphore_mem>>)
    %add3A_272 = arith.constant 128 : i32
    %add3A_273 = arith.addi %mul3A_2, %add3A_272 : i32
    %dma_start3A_274 = arith.constant 128 : i32
    %dma_start3A_275 = tpu.memref_slice %arg13[%dma_start3A_274] : memref<256xf32, #tpu.memory_space<vmem>> -> memref<32xf32, #tpu.memory_space<vmem>>
    %dma_start3A_276 = arith.constant 128 : i32
    %dma_start3A_277 = tpu.memref_slice %arg10[%dma_start3A_276] : memref<256xi32, #tpu.memory_space<vmem>> -> memref<32xi32, #tpu.memory_space<vmem>>
    %dma_start3A_278 = arith.constant 0 : i32
    %dma_start3A_279 = tpu.memref_slice %arg3[%dma_start3A_278] : memref<100000xf32, #tpu.memory_space<hbm>> -> memref<100000xf32, #tpu.memory_space<hbm>>
    tpu.enqueue_indirect_dma source(%dma_start3A_279 : memref<100000xf32, #tpu.memory_space<hbm>>) target(%dma_start3A_275 : memref<32xf32, #tpu.memory_space<vmem>>) offsets(%dma_start3A_277 : memref<32xi32, #tpu.memory_space<vmem>>) semaphore(%arg23 : memref<!tpu.dma_semaphore, #tpu.memory_space<semaphore_mem>>)
    %add3A_280 = arith.constant 128 : i32
    %add3A_281 = arith.addi %mul3A_2, %add3A_280 : i32
    %dma_wait3A_282 = arith.constant 0 : i32
    %dma_wait3A_283 = arith.constant 0 : i32
    %dma_wait3A_284 = arith.constant 0 : i32
    %dma_wait3A_285 = tpu.memref_slice %arg12[%dma_wait3A_282, %dma_wait3A_283, %dma_wait3A_284] : memref<4x32x768xf32, #tpu.memory_space<vmem>> -> memref<1x32x768xf32, #tpu.memory_space<vmem>>
    %dma_wait3A_286 = tpu.memref_squeeze %dma_wait3A_285 : memref<1x32x768xf32, #tpu.memory_space<vmem>> -> memref<32x768xf32, #tpu.memory_space<vmem>>
    %dma_wait3A_287 = arith.constant 128 : i32
    %dma_wait3A_288 = tpu.memref_slice %arg10[%dma_wait3A_287] : memref<256xi32, #tpu.memory_space<vmem>> -> memref<32xi32, #tpu.memory_space<vmem>>
    %dma_wait3A_289 = arith.constant 0 : i32
    %dma_wait3A_290 = arith.constant 0 : i32
    %dma_wait3A_291 = tpu.memref_slice %arg2[%dma_wait3A_289, %dma_wait3A_290] : memref<100000x768xf32, #tpu.memory_space<hbm>> -> memref<100000x768xf32, #tpu.memory_space<hbm>>
    tpu.wait_indirect_dma semaphore(%arg15 : memref<!tpu.dma_semaphore, #tpu.memory_space<semaphore_mem>>) src(%dma_wait3A_291 : memref<100000x768xf32, #tpu.memory_space<hbm>>) dst(%dma_wait3A_286 : memref<32x768xf32, #tpu.memory_space<vmem>>)
    %add3A_292 = arith.constant 128 : i32
    %add3A_293 = arith.addi %mul3A_2, %add3A_292 : i32
    %dma_start3A_294 = arith.constant 0 : i32
    %dma_start3A_295 = arith.constant 0 : i32
    %dma_start3A_296 = arith.constant 0 : i32
    %dma_start3A_297 = tpu.memref_slice %arg12[%dma_start3A_294, %dma_start3A_295, %dma_start3A_296] : memref<4x32x768xf32, #tpu.memory_space<vmem>> -> memref<1x32x768xf32, #tpu.memory_space<vmem>>
    %dma_start3A_298 = tpu.memref_squeeze %dma_start3A_297 : memref<1x32x768xf32, #tpu.memory_space<vmem>> -> memref<32x768xf32, #tpu.memory_space<vmem>>
    %dma_start3A_299 = arith.constant 0 : i32
    %dma_start3A_300 = tpu.memref_slice %arg6[%add3A_293, %dma_start3A_299] : memref<8192x768xf32, #tpu.memory_space<hbm>> -> memref<32x768xf32, #tpu.memory_space<hbm>>
    %dma_start3A_301 = arith.constant 0 : i32
    %dma_start3A_302 = tpu.memref_slice %arg6[%add3A_293, %dma_start3A_301] : memref<8192x768xf32, #tpu.memory_space<hbm>> -> memref<32x768xf32, #tpu.memory_space<hbm>>
    %dma_start3A_303 = arith.constant 0 : i32
    %dma_start3A_304 = arith.constant 0 : i32
    %dma_start3A_305 = tpu.memref_slice %arg12[%dma_start3A_294, %dma_start3A_303, %dma_start3A_304] : memref<4x32x768xf32, #tpu.memory_space<vmem>> -> memref<1x32x768xf32, #tpu.memory_space<vmem>>
    %dma_start3A_306 = tpu.memref_squeeze %dma_start3A_305 : memref<1x32x768xf32, #tpu.memory_space<vmem>> -> memref<32x768xf32, #tpu.memory_space<vmem>>
    tpu.enqueue_dma source(%dma_start3A_306 : memref<32x768xf32, #tpu.memory_space<vmem>>) target(%dma_start3A_302 : memref<32x768xf32, #tpu.memory_space<hbm>>) target_semaphore(%arg19 : memref<!tpu.dma_semaphore, #tpu.memory_space<semaphore_mem>>)
    %add3A_307 = arith.constant 96 : i32
    %add3A_308 = arith.addi %mul3A_2, %add3A_307 : i32
    %dma_wait3A_309 = arith.constant 3 : i32
    %dma_wait3A_310 = arith.constant 0 : i32
    %dma_wait3A_311 = arith.constant 0 : i32
    %dma_wait3A_312 = tpu.memref_slice %arg12[%dma_wait3A_309, %dma_wait3A_310, %dma_wait3A_311] : memref<4x32x768xf32, #tpu.memory_space<vmem>> -> memref<1x32x768xf32, #tpu.memory_space<vmem>>
    %dma_wait3A_313 = tpu.memref_squeeze %dma_wait3A_312 : memref<1x32x768xf32, #tpu.memory_space<vmem>> -> memref<32x768xf32, #tpu.memory_space<vmem>>
    %dma_wait3A_314 = arith.constant 0 : i32
    %dma_wait3A_315 = tpu.memref_slice %arg6[%add3A_308, %dma_wait3A_314] : memref<8192x768xf32, #tpu.memory_space<hbm>> -> memref<32x768xf32, #tpu.memory_space<hbm>>
    %dma_wait3A_316 = arith.constant 0 : i32
    %dma_wait3A_317 = tpu.memref_slice %arg6[%add3A_308, %dma_wait3A_316] : memref<8192x768xf32, #tpu.memory_space<hbm>> -> memref<32x768xf32, #tpu.memory_space<hbm>>
    %dma_wait3A_318 = arith.constant 0 : i32
    %dma_wait3A_319 = arith.constant 0 : i32
    %dma_wait3A_320 = tpu.memref_slice %arg12[%dma_wait3A_309, %dma_wait3A_318, %dma_wait3A_319] : memref<4x32x768xf32, #tpu.memory_space<vmem>> -> memref<1x32x768xf32, #tpu.memory_space<vmem>>
    %dma_wait3A_321 = tpu.memref_squeeze %dma_wait3A_320 : memref<1x32x768xf32, #tpu.memory_space<vmem>> -> memref<32x768xf32, #tpu.memory_space<vmem>>
    tpu.wait_dma2 semaphore(%arg22 : memref<!tpu.dma_semaphore, #tpu.memory_space<semaphore_mem>>) src(%dma_wait3A_321 : memref<32x768xf32, #tpu.memory_space<vmem>>) dst(%dma_wait3A_317 : memref<32x768xf32, #tpu.memory_space<hbm>>)
    %add3A_322 = arith.constant 224 : i32
    %add3A_323 = arith.addi %mul3A_2, %add3A_322 : i32
    %dma_start3A_324 = arith.constant 3 : i32
    %dma_start3A_325 = arith.constant 0 : i32
    %dma_start3A_326 = arith.constant 0 : i32
    %dma_start3A_327 = tpu.memref_slice %arg12[%dma_start3A_324, %dma_start3A_325, %dma_start3A_326] : memref<4x32x768xf32, #tpu.memory_space<vmem>> -> memref<1x32x768xf32, #tpu.memory_space<vmem>>
    %dma_start3A_328 = tpu.memref_squeeze %dma_start3A_327 : memref<1x32x768xf32, #tpu.memory_space<vmem>> -> memref<32x768xf32, #tpu.memory_space<vmem>>
    %dma_start3A_329 = arith.constant 224 : i32
    %dma_start3A_330 = tpu.memref_slice %arg10[%dma_start3A_329] : memref<256xi32, #tpu.memory_space<vmem>> -> memref<32xi32, #tpu.memory_space<vmem>>
    %dma_start3A_331 = arith.constant 0 : i32
    %dma_start3A_332 = arith.constant 0 : i32
    %dma_start3A_333 = tpu.memref_slice %arg2[%dma_start3A_331, %dma_start3A_332] : memref<100000x768xf32, #tpu.memory_space<hbm>> -> memref<100000x768xf32, #tpu.memory_space<hbm>>
    tpu.enqueue_indirect_dma source(%dma_start3A_333 : memref<100000x768xf32, #tpu.memory_space<hbm>>) target(%dma_start3A_328 : memref<32x768xf32, #tpu.memory_space<vmem>>) offsets(%dma_start3A_330 : memref<32xi32, #tpu.memory_space<vmem>>) semaphore(%arg18 : memref<!tpu.dma_semaphore, #tpu.memory_space<semaphore_mem>>)
    %add3A_334 = arith.constant 160 : i32
    %add3A_335 = arith.addi %mul3A_2, %add3A_334 : i32
    %dma_start3A_336 = arith.constant 160 : i32
    %dma_start3A_337 = tpu.memref_slice %arg13[%dma_start3A_336] : memref<256xf32, #tpu.memory_space<vmem>> -> memref<32xf32, #tpu.memory_space<vmem>>
    %dma_start3A_338 = arith.constant 160 : i32
    %dma_start3A_339 = tpu.memref_slice %arg10[%dma_start3A_338] : memref<256xi32, #tpu.memory_space<vmem>> -> memref<32xi32, #tpu.memory_space<vmem>>
    %dma_start3A_340 = arith.constant 0 : i32
    %dma_start3A_341 = tpu.memref_slice %arg3[%dma_start3A_340] : memref<100000xf32, #tpu.memory_space<hbm>> -> memref<100000xf32, #tpu.memory_space<hbm>>
    tpu.enqueue_indirect_dma source(%dma_start3A_341 : memref<100000xf32, #tpu.memory_space<hbm>>) target(%dma_start3A_337 : memref<32xf32, #tpu.memory_space<vmem>>) offsets(%dma_start3A_339 : memref<32xi32, #tpu.memory_space<vmem>>) semaphore(%arg23 : memref<!tpu.dma_semaphore, #tpu.memory_space<semaphore_mem>>)
    %add3A_342 = arith.constant 160 : i32
    %add3A_343 = arith.addi %mul3A_2, %add3A_342 : i32
    %dma_wait3A_344 = arith.constant 1 : i32
    %dma_wait3A_345 = arith.constant 0 : i32
    %dma_wait3A_346 = arith.constant 0 : i32
    %dma_wait3A_347 = tpu.memref_slice %arg12[%dma_wait3A_344, %dma_wait3A_345, %dma_wait3A_346] : memref<4x32x768xf32, #tpu.memory_space<vmem>> -> memref<1x32x768xf32, #tpu.memory_space<vmem>>
    %dma_wait3A_348 = tpu.memref_squeeze %dma_wait3A_347 : memref<1x32x768xf32, #tpu.memory_space<vmem>> -> memref<32x768xf32, #tpu.memory_space<vmem>>
    %dma_wait3A_349 = arith.constant 160 : i32
    %dma_wait3A_350 = tpu.memref_slice %arg10[%dma_wait3A_349] : memref<256xi32, #tpu.memory_space<vmem>> -> memref<32xi32, #tpu.memory_space<vmem>>
    %dma_wait3A_351 = arith.constant 0 : i32
    %dma_wait3A_352 = arith.constant 0 : i32
    %dma_wait3A_353 = tpu.memref_slice %arg2[%dma_wait3A_351, %dma_wait3A_352] : memref<100000x768xf32, #tpu.memory_space<hbm>> -> memref<100000x768xf32, #tpu.memory_space<hbm>>
    tpu.wait_indirect_dma semaphore(%arg16 : memref<!tpu.dma_semaphore, #tpu.memory_space<semaphore_mem>>) src(%dma_wait3A_353 : memref<100000x768xf32, #tpu.memory_space<hbm>>) dst(%dma_wait3A_348 : memref<32x768xf32, #tpu.memory_space<vmem>>)
    %add3A_354 = arith.constant 160 : i32
    %add3A_355 = arith.addi %mul3A_2, %add3A_354 : i32
    %dma_start3A_356 = arith.constant 1 : i32
    %dma_start3A_357 = arith.constant 0 : i32
    %dma_start3A_358 = arith.constant 0 : i32
    %dma_start3A_359 = tpu.memref_slice %arg12[%dma_start3A_356, %dma_start3A_357, %dma_start3A_358] : memref<4x32x768xf32, #tpu.memory_space<vmem>> -> memref<1x32x768xf32, #tpu.memory_space<vmem>>
    %dma_start3A_360 = tpu.memref_squeeze %dma_start3A_359 : memref<1x32x768xf32, #tpu.memory_space<vmem>> -> memref<32x768xf32, #tpu.memory_space<vmem>>
    %dma_start3A_361 = arith.constant 0 : i32
    %dma_start3A_362 = tpu.memref_slice %arg6[%add3A_355, %dma_start3A_361] : memref<8192x768xf32, #tpu.memory_space<hbm>> -> memref<32x768xf32, #tpu.memory_space<hbm>>
    %dma_start3A_363 = arith.constant 0 : i32
    %dma_start3A_364 = tpu.memref_slice %arg6[%add3A_355, %dma_start3A_363] : memref<8192x768xf32, #tpu.memory_space<hbm>> -> memref<32x768xf32, #tpu.memory_space<hbm>>
    %dma_start3A_365 = arith.constant 0 : i32
    %dma_start3A_366 = arith.constant 0 : i32
    %dma_start3A_367 = tpu.memref_slice %arg12[%dma_start3A_356, %dma_start3A_365, %dma_start3A_366] : memref<4x32x768xf32, #tpu.memory_space<vmem>> -> memref<1x32x768xf32, #tpu.memory_space<vmem>>
    %dma_start3A_368 = tpu.memref_squeeze %dma_start3A_367 : memref<1x32x768xf32, #tpu.memory_space<vmem>> -> memref<32x768xf32, #tpu.memory_space<vmem>>
    tpu.enqueue_dma source(%dma_start3A_368 : memref<32x768xf32, #tpu.memory_space<vmem>>) target(%dma_start3A_364 : memref<32x768xf32, #tpu.memory_space<hbm>>) target_semaphore(%arg20 : memref<!tpu.dma_semaphore, #tpu.memory_space<semaphore_mem>>)
    %add3A_369 = arith.constant 128 : i32
    %add3A_370 = arith.addi %mul3A_2, %add3A_369 : i32
    %dma_wait3A_371 = arith.constant 0 : i32
    %dma_wait3A_372 = arith.constant 0 : i32
    %dma_wait3A_373 = arith.constant 0 : i32
    %dma_wait3A_374 = tpu.memref_slice %arg12[%dma_wait3A_371, %dma_wait3A_372, %dma_wait3A_373] : memref<4x32x768xf32, #tpu.memory_space<vmem>> -> memref<1x32x768xf32, #tpu.memory_space<vmem>>
    %dma_wait3A_375 = tpu.memref_squeeze %dma_wait3A_374 : memref<1x32x768xf32, #tpu.memory_space<vmem>> -> memref<32x768xf32, #tpu.memory_space<vmem>>
    %dma_wait3A_376 = arith.constant 0 : i32
    %dma_wait3A_377 = tpu.memref_slice %arg6[%add3A_370, %dma_wait3A_376] : memref<8192x768xf32, #tpu.memory_space<hbm>> -> memref<32x768xf32, #tpu.memory_space<hbm>>
    %dma_wait3A_378 = arith.constant 0 : i32
    %dma_wait3A_379 = tpu.memref_slice %arg6[%add3A_370, %dma_wait3A_378] : memref<8192x768xf32, #tpu.memory_space<hbm>> -> memref<32x768xf32, #tpu.memory_space<hbm>>
    %dma_wait3A_380 = arith.constant 0 : i32
    %dma_wait3A_381 = arith.constant 0 : i32
    %dma_wait3A_382 = tpu.memref_slice %arg12[%dma_wait3A_371, %dma_wait3A_380, %dma_wait3A_381] : memref<4x32x768xf32, #tpu.memory_space<vmem>> -> memref<1x32x768xf32, #tpu.memory_space<vmem>>
    %dma_wait3A_383 = tpu.memref_squeeze %dma_wait3A_382 : memref<1x32x768xf32, #tpu.memory_space<vmem>> -> memref<32x768xf32, #tpu.memory_space<vmem>>
    tpu.wait_dma2 semaphore(%arg19 : memref<!tpu.dma_semaphore, #tpu.memory_space<semaphore_mem>>) src(%dma_wait3A_383 : memref<32x768xf32, #tpu.memory_space<vmem>>) dst(%dma_wait3A_379 : memref<32x768xf32, #tpu.memory_space<hbm>>)
    %add3A_384 = arith.constant 0 : i32
    %add3A_385 = arith.addi %mul3A_4, %add3A_384 : i32
    %dma_start3A_386 = arith.constant 0 : i32
    %dma_start3A_387 = arith.constant 0 : i32
    %dma_start3A_388 = arith.constant 0 : i32
    %dma_start3A_389 = tpu.memref_slice %arg12[%dma_start3A_386, %dma_start3A_387, %dma_start3A_388] : memref<4x32x768xf32, #tpu.memory_space<vmem>> -> memref<1x32x768xf32, #tpu.memory_space<vmem>>
    %dma_start3A_390 = tpu.memref_squeeze %dma_start3A_389 : memref<1x32x768xf32, #tpu.memory_space<vmem>> -> memref<32x768xf32, #tpu.memory_space<vmem>>
    %dma_start3A_391 = arith.constant 0 : i32
    %dma_start3A_392 = tpu.memref_slice %arg11[%dma_start3A_391] : memref<128xi32, #tpu.memory_space<vmem>> -> memref<32xi32, #tpu.memory_space<vmem>>
    %dma_start3A_393 = arith.constant 0 : i32
    %dma_start3A_394 = arith.constant 0 : i32
    %dma_start3A_395 = tpu.memref_slice %arg2[%dma_start3A_393, %dma_start3A_394] : memref<100000x768xf32, #tpu.memory_space<hbm>> -> memref<100000x768xf32, #tpu.memory_space<hbm>>
    tpu.enqueue_indirect_dma source(%dma_start3A_395 : memref<100000x768xf32, #tpu.memory_space<hbm>>) target(%dma_start3A_390 : memref<32x768xf32, #tpu.memory_space<vmem>>) offsets(%dma_start3A_392 : memref<32xi32, #tpu.memory_space<vmem>>) semaphore(%arg15 : memref<!tpu.dma_semaphore, #tpu.memory_space<semaphore_mem>>)
    %add3A_396 = arith.constant 192 : i32
    %add3A_397 = arith.addi %mul3A_2, %add3A_396 : i32
    %dma_start3A_398 = arith.constant 192 : i32
    %dma_start3A_399 = tpu.memref_slice %arg13[%dma_start3A_398] : memref<256xf32, #tpu.memory_space<vmem>> -> memref<32xf32, #tpu.memory_space<vmem>>
    %dma_start3A_400 = arith.constant 192 : i32
    %dma_start3A_401 = tpu.memref_slice %arg10[%dma_start3A_400] : memref<256xi32, #tpu.memory_space<vmem>> -> memref<32xi32, #tpu.memory_space<vmem>>
    %dma_start3A_402 = arith.constant 0 : i32
    %dma_start3A_403 = tpu.memref_slice %arg3[%dma_start3A_402] : memref<100000xf32, #tpu.memory_space<hbm>> -> memref<100000xf32, #tpu.memory_space<hbm>>
    tpu.enqueue_indirect_dma source(%dma_start3A_403 : memref<100000xf32, #tpu.memory_space<hbm>>) target(%dma_start3A_399 : memref<32xf32, #tpu.memory_space<vmem>>) offsets(%dma_start3A_401 : memref<32xi32, #tpu.memory_space<vmem>>) semaphore(%arg23 : memref<!tpu.dma_semaphore, #tpu.memory_space<semaphore_mem>>)
    %add3A_404 = arith.constant 192 : i32
    %add3A_405 = arith.addi %mul3A_2, %add3A_404 : i32
    %dma_wait3A_406 = arith.constant 2 : i32
    %dma_wait3A_407 = arith.constant 0 : i32
    %dma_wait3A_408 = arith.constant 0 : i32
    %dma_wait3A_409 = tpu.memref_slice %arg12[%dma_wait3A_406, %dma_wait3A_407, %dma_wait3A_408] : memref<4x32x768xf32, #tpu.memory_space<vmem>> -> memref<1x32x768xf32, #tpu.memory_space<vmem>>
    %dma_wait3A_410 = tpu.memref_squeeze %dma_wait3A_409 : memref<1x32x768xf32, #tpu.memory_space<vmem>> -> memref<32x768xf32, #tpu.memory_space<vmem>>
    %dma_wait3A_411 = arith.constant 192 : i32
    %dma_wait3A_412 = tpu.memref_slice %arg10[%dma_wait3A_411] : memref<256xi32, #tpu.memory_space<vmem>> -> memref<32xi32, #tpu.memory_space<vmem>>
    %dma_wait3A_413 = arith.constant 0 : i32
    %dma_wait3A_414 = arith.constant 0 : i32
    %dma_wait3A_415 = tpu.memref_slice %arg2[%dma_wait3A_413, %dma_wait3A_414] : memref<100000x768xf32, #tpu.memory_space<hbm>> -> memref<100000x768xf32, #tpu.memory_space<hbm>>
    tpu.wait_indirect_dma semaphore(%arg17 : memref<!tpu.dma_semaphore, #tpu.memory_space<semaphore_mem>>) src(%dma_wait3A_415 : memref<100000x768xf32, #tpu.memory_space<hbm>>) dst(%dma_wait3A_410 : memref<32x768xf32, #tpu.memory_space<vmem>>)
    %add3A_416 = arith.constant 192 : i32
    %add3A_417 = arith.addi %mul3A_2, %add3A_416 : i32
    %dma_start3A_418 = arith.constant 2 : i32
    %dma_start3A_419 = arith.constant 0 : i32
    %dma_start3A_420 = arith.constant 0 : i32
    %dma_start3A_421 = tpu.memref_slice %arg12[%dma_start3A_418, %dma_start3A_419, %dma_start3A_420] : memref<4x32x768xf32, #tpu.memory_space<vmem>> -> memref<1x32x768xf32, #tpu.memory_space<vmem>>
    %dma_start3A_422 = tpu.memref_squeeze %dma_start3A_421 : memref<1x32x768xf32, #tpu.memory_space<vmem>> -> memref<32x768xf32, #tpu.memory_space<vmem>>
    %dma_start3A_423 = arith.constant 0 : i32
    %dma_start3A_424 = tpu.memref_slice %arg6[%add3A_417, %dma_start3A_423] : memref<8192x768xf32, #tpu.memory_space<hbm>> -> memref<32x768xf32, #tpu.memory_space<hbm>>
    %dma_start3A_425 = arith.constant 0 : i32
    %dma_start3A_426 = tpu.memref_slice %arg6[%add3A_417, %dma_start3A_425] : memref<8192x768xf32, #tpu.memory_space<hbm>> -> memref<32x768xf32, #tpu.memory_space<hbm>>
    %dma_start3A_427 = arith.constant 0 : i32
    %dma_start3A_428 = arith.constant 0 : i32
    %dma_start3A_429 = tpu.memref_slice %arg12[%dma_start3A_418, %dma_start3A_427, %dma_start3A_428] : memref<4x32x768xf32, #tpu.memory_space<vmem>> -> memref<1x32x768xf32, #tpu.memory_space<vmem>>
    %dma_start3A_430 = tpu.memref_squeeze %dma_start3A_429 : memref<1x32x768xf32, #tpu.memory_space<vmem>> -> memref<32x768xf32, #tpu.memory_space<vmem>>
    tpu.enqueue_dma source(%dma_start3A_430 : memref<32x768xf32, #tpu.memory_space<vmem>>) target(%dma_start3A_426 : memref<32x768xf32, #tpu.memory_space<hbm>>) target_semaphore(%arg21 : memref<!tpu.dma_semaphore, #tpu.memory_space<semaphore_mem>>)
    %add3A_431 = arith.constant 160 : i32
    %add3A_432 = arith.addi %mul3A_2, %add3A_431 : i32
    %dma_wait3A_433 = arith.constant 1 : i32
    %dma_wait3A_434 = arith.constant 0 : i32
    %dma_wait3A_435 = arith.constant 0 : i32
    %dma_wait3A_436 = tpu.memref_slice %arg12[%dma_wait3A_433, %dma_wait3A_434, %dma_wait3A_435] : memref<4x32x768xf32, #tpu.memory_space<vmem>> -> memref<1x32x768xf32, #tpu.memory_space<vmem>>
    %dma_wait3A_437 = tpu.memref_squeeze %dma_wait3A_436 : memref<1x32x768xf32, #tpu.memory_space<vmem>> -> memref<32x768xf32, #tpu.memory_space<vmem>>
    %dma_wait3A_438 = arith.constant 0 : i32
    %dma_wait3A_439 = tpu.memref_slice %arg6[%add3A_432, %dma_wait3A_438] : memref<8192x768xf32, #tpu.memory_space<hbm>> -> memref<32x768xf32, #tpu.memory_space<hbm>>
    %dma_wait3A_440 = arith.constant 0 : i32
    %dma_wait3A_441 = tpu.memref_slice %arg6[%add3A_432, %dma_wait3A_440] : memref<8192x768xf32, #tpu.memory_space<hbm>> -> memref<32x768xf32, #tpu.memory_space<hbm>>
    %dma_wait3A_442 = arith.constant 0 : i32
    %dma_wait3A_443 = arith.constant 0 : i32
    %dma_wait3A_444 = tpu.memref_slice %arg12[%dma_wait3A_433, %dma_wait3A_442, %dma_wait3A_443] : memref<4x32x768xf32, #tpu.memory_space<vmem>> -> memref<1x32x768xf32, #tpu.memory_space<vmem>>
    %dma_wait3A_445 = tpu.memref_squeeze %dma_wait3A_444 : memref<1x32x768xf32, #tpu.memory_space<vmem>> -> memref<32x768xf32, #tpu.memory_space<vmem>>
    tpu.wait_dma2 semaphore(%arg20 : memref<!tpu.dma_semaphore, #tpu.memory_space<semaphore_mem>>) src(%dma_wait3A_445 : memref<32x768xf32, #tpu.memory_space<vmem>>) dst(%dma_wait3A_441 : memref<32x768xf32, #tpu.memory_space<hbm>>)
    %add3A_446 = arith.constant 32 : i32
    %add3A_447 = arith.addi %mul3A_4, %add3A_446 : i32
    %dma_start3A_448 = arith.constant 1 : i32
    %dma_start3A_449 = arith.constant 0 : i32
    %dma_start3A_450 = arith.constant 0 : i32
    %dma_start3A_451 = tpu.memref_slice %arg12[%dma_start3A_448, %dma_start3A_449, %dma_start3A_450] : memref<4x32x768xf32, #tpu.memory_space<vmem>> -> memref<1x32x768xf32, #tpu.memory_space<vmem>>
    %dma_start3A_452 = tpu.memref_squeeze %dma_start3A_451 : memref<1x32x768xf32, #tpu.memory_space<vmem>> -> memref<32x768xf32, #tpu.memory_space<vmem>>
    %dma_start3A_453 = arith.constant 32 : i32
    %dma_start3A_454 = tpu.memref_slice %arg11[%dma_start3A_453] : memref<128xi32, #tpu.memory_space<vmem>> -> memref<32xi32, #tpu.memory_space<vmem>>
    %dma_start3A_455 = arith.constant 0 : i32
    %dma_start3A_456 = arith.constant 0 : i32
    %dma_start3A_457 = tpu.memref_slice %arg2[%dma_start3A_455, %dma_start3A_456] : memref<100000x768xf32, #tpu.memory_space<hbm>> -> memref<100000x768xf32, #tpu.memory_space<hbm>>
    tpu.enqueue_indirect_dma source(%dma_start3A_457 : memref<100000x768xf32, #tpu.memory_space<hbm>>) target(%dma_start3A_452 : memref<32x768xf32, #tpu.memory_space<vmem>>) offsets(%dma_start3A_454 : memref<32xi32, #tpu.memory_space<vmem>>) semaphore(%arg16 : memref<!tpu.dma_semaphore, #tpu.memory_space<semaphore_mem>>)
    %add3A_458 = arith.constant 224 : i32
    %add3A_459 = arith.addi %mul3A_2, %add3A_458 : i32
    %dma_start3A_460 = arith.constant 224 : i32
    %dma_start3A_461 = tpu.memref_slice %arg13[%dma_start3A_460] : memref<256xf32, #tpu.memory_space<vmem>> -> memref<32xf32, #tpu.memory_space<vmem>>
    %dma_start3A_462 = arith.constant 224 : i32
    %dma_start3A_463 = tpu.memref_slice %arg10[%dma_start3A_462] : memref<256xi32, #tpu.memory_space<vmem>> -> memref<32xi32, #tpu.memory_space<vmem>>
    %dma_start3A_464 = arith.constant 0 : i32
    %dma_start3A_465 = tpu.memref_slice %arg3[%dma_start3A_464] : memref<100000xf32, #tpu.memory_space<hbm>> -> memref<100000xf32, #tpu.memory_space<hbm>>
    tpu.enqueue_indirect_dma source(%dma_start3A_465 : memref<100000xf32, #tpu.memory_space<hbm>>) target(%dma_start3A_461 : memref<32xf32, #tpu.memory_space<vmem>>) offsets(%dma_start3A_463 : memref<32xi32, #tpu.memory_space<vmem>>) semaphore(%arg23 : memref<!tpu.dma_semaphore, #tpu.memory_space<semaphore_mem>>)
    %add3A_466 = arith.constant 224 : i32
    %add3A_467 = arith.addi %mul3A_2, %add3A_466 : i32
    %dma_wait3A_468 = arith.constant 3 : i32
    %dma_wait3A_469 = arith.constant 0 : i32
    %dma_wait3A_470 = arith.constant 0 : i32
    %dma_wait3A_471 = tpu.memref_slice %arg12[%dma_wait3A_468, %dma_wait3A_469, %dma_wait3A_470] : memref<4x32x768xf32, #tpu.memory_space<vmem>> -> memref<1x32x768xf32, #tpu.memory_space<vmem>>
    %dma_wait3A_472 = tpu.memref_squeeze %dma_wait3A_471 : memref<1x32x768xf32, #tpu.memory_space<vmem>> -> memref<32x768xf32, #tpu.memory_space<vmem>>
    %dma_wait3A_473 = arith.constant 224 : i32
    %dma_wait3A_474 = tpu.memref_slice %arg10[%dma_wait3A_473] : memref<256xi32, #tpu.memory_space<vmem>> -> memref<32xi32, #tpu.memory_space<vmem>>
    %dma_wait3A_475 = arith.constant 0 : i32
    %dma_wait3A_476 = arith.constant 0 : i32
    %dma_wait3A_477 = tpu.memref_slice %arg2[%dma_wait3A_475, %dma_wait3A_476] : memref<100000x768xf32, #tpu.memory_space<hbm>> -> memref<100000x768xf32, #tpu.memory_space<hbm>>
    tpu.wait_indirect_dma semaphore(%arg18 : memref<!tpu.dma_semaphore, #tpu.memory_space<semaphore_mem>>) src(%dma_wait3A_477 : memref<100000x768xf32, #tpu.memory_space<hbm>>) dst(%dma_wait3A_472 : memref<32x768xf32, #tpu.memory_space<vmem>>)
    %add3A_478 = arith.constant 224 : i32
    %add3A_479 = arith.addi %mul3A_2, %add3A_478 : i32
    %dma_start3A_480 = arith.constant 3 : i32
    %dma_start3A_481 = arith.constant 0 : i32
    %dma_start3A_482 = arith.constant 0 : i32
    %dma_start3A_483 = tpu.memref_slice %arg12[%dma_start3A_480, %dma_start3A_481, %dma_start3A_482] : memref<4x32x768xf32, #tpu.memory_space<vmem>> -> memref<1x32x768xf32, #tpu.memory_space<vmem>>
    %dma_start3A_484 = tpu.memref_squeeze %dma_start3A_483 : memref<1x32x768xf32, #tpu.memory_space<vmem>> -> memref<32x768xf32, #tpu.memory_space<vmem>>
    %dma_start3A_485 = arith.constant 0 : i32
    %dma_start3A_486 = tpu.memref_slice %arg6[%add3A_479, %dma_start3A_485] : memref<8192x768xf32, #tpu.memory_space<hbm>> -> memref<32x768xf32, #tpu.memory_space<hbm>>
    %dma_start3A_487 = arith.constant 0 : i32
    %dma_start3A_488 = tpu.memref_slice %arg6[%add3A_479, %dma_start3A_487] : memref<8192x768xf32, #tpu.memory_space<hbm>> -> memref<32x768xf32, #tpu.memory_space<hbm>>
    %dma_start3A_489 = arith.constant 0 : i32
    %dma_start3A_490 = arith.constant 0 : i32
    %dma_start3A_491 = tpu.memref_slice %arg12[%dma_start3A_480, %dma_start3A_489, %dma_start3A_490] : memref<4x32x768xf32, #tpu.memory_space<vmem>> -> memref<1x32x768xf32, #tpu.memory_space<vmem>>
    %dma_start3A_492 = tpu.memref_squeeze %dma_start3A_491 : memref<1x32x768xf32, #tpu.memory_space<vmem>> -> memref<32x768xf32, #tpu.memory_space<vmem>>
    tpu.enqueue_dma source(%dma_start3A_492 : memref<32x768xf32, #tpu.memory_space<vmem>>) target(%dma_start3A_488 : memref<32x768xf32, #tpu.memory_space<hbm>>) target_semaphore(%arg22 : memref<!tpu.dma_semaphore, #tpu.memory_space<semaphore_mem>>)
    %add3A_493 = arith.constant 192 : i32
    %add3A_494 = arith.addi %mul3A_2, %add3A_493 : i32
    %dma_wait3A_495 = arith.constant 2 : i32
    %dma_wait3A_496 = arith.constant 0 : i32
    %dma_wait3A_497 = arith.constant 0 : i32
    %dma_wait3A_498 = tpu.memref_slice %arg12[%dma_wait3A_495, %dma_wait3A_496, %dma_wait3A_497] : memref<4x32x768xf32, #tpu.memory_space<vmem>> -> memref<1x32x768xf32, #tpu.memory_space<vmem>>
    %dma_wait3A_499 = tpu.memref_squeeze %dma_wait3A_498 : memref<1x32x768xf32, #tpu.memory_space<vmem>> -> memref<32x768xf32, #tpu.memory_space<vmem>>
    %dma_wait3A_500 = arith.constant 0 : i32
    %dma_wait3A_501 = tpu.memref_slice %arg6[%add3A_494, %dma_wait3A_500] : memref<8192x768xf32, #tpu.memory_space<hbm>> -> memref<32x768xf32, #tpu.memory_space<hbm>>
    %dma_wait3A_502 = arith.constant 0 : i32
    %dma_wait3A_503 = tpu.memref_slice %arg6[%add3A_494, %dma_wait3A_502] : memref<8192x768xf32, #tpu.memory_space<hbm>> -> memref<32x768xf32, #tpu.memory_space<hbm>>
    %dma_wait3A_504 = arith.constant 0 : i32
    %dma_wait3A_505 = arith.constant 0 : i32
    %dma_wait3A_506 = tpu.memref_slice %arg12[%dma_wait3A_495, %dma_wait3A_504, %dma_wait3A_505] : memref<4x32x768xf32, #tpu.memory_space<vmem>> -> memref<1x32x768xf32, #tpu.memory_space<vmem>>
    %dma_wait3A_507 = tpu.memref_squeeze %dma_wait3A_506 : memref<1x32x768xf32, #tpu.memory_space<vmem>> -> memref<32x768xf32, #tpu.memory_space<vmem>>
    tpu.wait_dma2 semaphore(%arg21 : memref<!tpu.dma_semaphore, #tpu.memory_space<semaphore_mem>>) src(%dma_wait3A_507 : memref<32x768xf32, #tpu.memory_space<vmem>>) dst(%dma_wait3A_503 : memref<32x768xf32, #tpu.memory_space<hbm>>)
    %add3A_508 = arith.constant 64 : i32
    %add3A_509 = arith.addi %mul3A_4, %add3A_508 : i32
    %dma_start3A_510 = arith.constant 2 : i32
    %dma_start3A_511 = arith.constant 0 : i32
    %dma_start3A_512 = arith.constant 0 : i32
    %dma_start3A_513 = tpu.memref_slice %arg12[%dma_start3A_510, %dma_start3A_511, %dma_start3A_512] : memref<4x32x768xf32, #tpu.memory_space<vmem>> -> memref<1x32x768xf32, #tpu.memory_space<vmem>>
    %dma_start3A_514 = tpu.memref_squeeze %dma_start3A_513 : memref<1x32x768xf32, #tpu.memory_space<vmem>> -> memref<32x768xf32, #tpu.memory_space<vmem>>
    %dma_start3A_515 = arith.constant 64 : i32
    %dma_start3A_516 = tpu.memref_slice %arg11[%dma_start3A_515] : memref<128xi32, #tpu.memory_space<vmem>> -> memref<32xi32, #tpu.memory_space<vmem>>
    %dma_start3A_517 = arith.constant 0 : i32
    %dma_start3A_518 = arith.constant 0 : i32
    %dma_start3A_519 = tpu.memref_slice %arg2[%dma_start3A_517, %dma_start3A_518] : memref<100000x768xf32, #tpu.memory_space<hbm>> -> memref<100000x768xf32, #tpu.memory_space<hbm>>
    tpu.enqueue_indirect_dma source(%dma_start3A_519 : memref<100000x768xf32, #tpu.memory_space<hbm>>) target(%dma_start3A_514 : memref<32x768xf32, #tpu.memory_space<vmem>>) offsets(%dma_start3A_516 : memref<32xi32, #tpu.memory_space<vmem>>) semaphore(%arg17 : memref<!tpu.dma_semaphore, #tpu.memory_space<semaphore_mem>>)
    %add3A_520 = arith.constant 0 : i32
    %add3A_521 = arith.addi %mul3A_4, %add3A_520 : i32
    %dma_start3A_522 = arith.constant 0 : i32
    %dma_start3A_523 = tpu.memref_slice %arg14[%dma_start3A_522] : memref<128xf32, #tpu.memory_space<vmem>> -> memref<32xf32, #tpu.memory_space<vmem>>
    %dma_start3A_524 = arith.constant 0 : i32
    %dma_start3A_525 = tpu.memref_slice %arg11[%dma_start3A_524] : memref<128xi32, #tpu.memory_space<vmem>> -> memref<32xi32, #tpu.memory_space<vmem>>
    %dma_start3A_526 = arith.constant 0 : i32
    %dma_start3A_527 = tpu.memref_slice %arg3[%dma_start3A_526] : memref<100000xf32, #tpu.memory_space<hbm>> -> memref<100000xf32, #tpu.memory_space<hbm>>
    tpu.enqueue_indirect_dma source(%dma_start3A_527 : memref<100000xf32, #tpu.memory_space<hbm>>) target(%dma_start3A_523 : memref<32xf32, #tpu.memory_space<vmem>>) offsets(%dma_start3A_525 : memref<32xi32, #tpu.memory_space<vmem>>) semaphore(%arg23 : memref<!tpu.dma_semaphore, #tpu.memory_space<semaphore_mem>>)
    %add3A_528 = arith.constant 0 : i32
    %add3A_529 = arith.addi %mul3A_4, %add3A_528 : i32
    %dma_wait3A_530 = arith.constant 0 : i32
    %dma_wait3A_531 = arith.constant 0 : i32
    %dma_wait3A_532 = arith.constant 0 : i32
    %dma_wait3A_533 = tpu.memref_slice %arg12[%dma_wait3A_530, %dma_wait3A_531, %dma_wait3A_532] : memref<4x32x768xf32, #tpu.memory_space<vmem>> -> memref<1x32x768xf32, #tpu.memory_space<vmem>>
    %dma_wait3A_534 = tpu.memref_squeeze %dma_wait3A_533 : memref<1x32x768xf32, #tpu.memory_space<vmem>> -> memref<32x768xf32, #tpu.memory_space<vmem>>
    %dma_wait3A_535 = arith.constant 0 : i32
    %dma_wait3A_536 = tpu.memref_slice %arg11[%dma_wait3A_535] : memref<128xi32, #tpu.memory_space<vmem>> -> memref<32xi32, #tpu.memory_space<vmem>>
    %dma_wait3A_537 = arith.constant 0 : i32
    %dma_wait3A_538 = arith.constant 0 : i32
    %dma_wait3A_539 = tpu.memref_slice %arg2[%dma_wait3A_537, %dma_wait3A_538] : memref<100000x768xf32, #tpu.memory_space<hbm>> -> memref<100000x768xf32, #tpu.memory_space<hbm>>
    tpu.wait_indirect_dma semaphore(%arg15 : memref<!tpu.dma_semaphore, #tpu.memory_space<semaphore_mem>>) src(%dma_wait3A_539 : memref<100000x768xf32, #tpu.memory_space<hbm>>) dst(%dma_wait3A_534 : memref<32x768xf32, #tpu.memory_space<vmem>>)
    %add3A_540 = arith.constant 0 : i32
    %add3A_541 = arith.addi %mul3A_4, %add3A_540 : i32
    %dma_start3A_542 = arith.constant 0 : i32
    %dma_start3A_543 = arith.constant 0 : i32
    %dma_start3A_544 = arith.constant 0 : i32
    %dma_start3A_545 = tpu.memref_slice %arg12[%dma_start3A_542, %dma_start3A_543, %dma_start3A_544] : memref<4x32x768xf32, #tpu.memory_space<vmem>> -> memref<1x32x768xf32, #tpu.memory_space<vmem>>
    %dma_start3A_546 = tpu.memref_squeeze %dma_start3A_545 : memref<1x32x768xf32, #tpu.memory_space<vmem>> -> memref<32x768xf32, #tpu.memory_space<vmem>>
    %dma_start3A_547 = arith.constant 0 : i32
    %dma_start3A_548 = tpu.memref_slice %arg7[%add3A_541, %dma_start3A_547] : memref<4096x768xf32, #tpu.memory_space<hbm>> -> memref<32x768xf32, #tpu.memory_space<hbm>>
    %dma_start3A_549 = arith.constant 0 : i32
    %dma_start3A_550 = tpu.memref_slice %arg7[%add3A_541, %dma_start3A_549] : memref<4096x768xf32, #tpu.memory_space<hbm>> -> memref<32x768xf32, #tpu.memory_space<hbm>>
    %dma_start3A_551 = arith.constant 0 : i32
    %dma_start3A_552 = arith.constant 0 : i32
    %dma_start3A_553 = tpu.memref_slice %arg12[%dma_start3A_542, %dma_start3A_551, %dma_start3A_552] : memref<4x32x768xf32, #tpu.memory_space<vmem>> -> memref<1x32x768xf32, #tpu.memory_space<vmem>>
    %dma_start3A_554 = tpu.memref_squeeze %dma_start3A_553 : memref<1x32x768xf32, #tpu.memory_space<vmem>> -> memref<32x768xf32, #tpu.memory_space<vmem>>
    tpu.enqueue_dma source(%dma_start3A_554 : memref<32x768xf32, #tpu.memory_space<vmem>>) target(%dma_start3A_550 : memref<32x768xf32, #tpu.memory_space<hbm>>) target_semaphore(%arg19 : memref<!tpu.dma_semaphore, #tpu.memory_space<semaphore_mem>>)
    %add3A_555 = arith.constant 224 : i32
    %add3A_556 = arith.addi %mul3A_2, %add3A_555 : i32
    %dma_wait3A_557 = arith.constant 3 : i32
    %dma_wait3A_558 = arith.constant 0 : i32
    %dma_wait3A_559 = arith.constant 0 : i32
    %dma_wait3A_560 = tpu.memref_slice %arg12[%dma_wait3A_557, %dma_wait3A_558, %dma_wait3A_559] : memref<4x32x768xf32, #tpu.memory_space<vmem>> -> memref<1x32x768xf32, #tpu.memory_space<vmem>>
    %dma_wait3A_561 = tpu.memref_squeeze %dma_wait3A_560 : memref<1x32x768xf32, #tpu.memory_space<vmem>> -> memref<32x768xf32, #tpu.memory_space<vmem>>
    %dma_wait3A_562 = arith.constant 0 : i32
    %dma_wait3A_563 = tpu.memref_slice %arg6[%add3A_556, %dma_wait3A_562] : memref<8192x768xf32, #tpu.memory_space<hbm>> -> memref<32x768xf32, #tpu.memory_space<hbm>>
    %dma_wait3A_564 = arith.constant 0 : i32
    %dma_wait3A_565 = tpu.memref_slice %arg6[%add3A_556, %dma_wait3A_564] : memref<8192x768xf32, #tpu.memory_space<hbm>> -> memref<32x768xf32, #tpu.memory_space<hbm>>
    %dma_wait3A_566 = arith.constant 0 : i32
    %dma_wait3A_567 = arith.constant 0 : i32
    %dma_wait3A_568 = tpu.memref_slice %arg12[%dma_wait3A_557, %dma_wait3A_566, %dma_wait3A_567] : memref<4x32x768xf32, #tpu.memory_space<vmem>> -> memref<1x32x768xf32, #tpu.memory_space<vmem>>
    %dma_wait3A_569 = tpu.memref_squeeze %dma_wait3A_568 : memref<1x32x768xf32, #tpu.memory_space<vmem>> -> memref<32x768xf32, #tpu.memory_space<vmem>>
    tpu.wait_dma2 semaphore(%arg22 : memref<!tpu.dma_semaphore, #tpu.memory_space<semaphore_mem>>) src(%dma_wait3A_569 : memref<32x768xf32, #tpu.memory_space<vmem>>) dst(%dma_wait3A_565 : memref<32x768xf32, #tpu.memory_space<hbm>>)
    %add3A_570 = arith.constant 96 : i32
    %add3A_571 = arith.addi %mul3A_4, %add3A_570 : i32
    %dma_start3A_572 = arith.constant 3 : i32
    %dma_start3A_573 = arith.constant 0 : i32
    %dma_start3A_574 = arith.constant 0 : i32
    %dma_start3A_575 = tpu.memref_slice %arg12[%dma_start3A_572, %dma_start3A_573, %dma_start3A_574] : memref<4x32x768xf32, #tpu.memory_space<vmem>> -> memref<1x32x768xf32, #tpu.memory_space<vmem>>
    %dma_start3A_576 = tpu.memref_squeeze %dma_start3A_575 : memref<1x32x768xf32, #tpu.memory_space<vmem>> -> memref<32x768xf32, #tpu.memory_space<vmem>>
    %dma_start3A_577 = arith.constant 96 : i32
    %dma_start3A_578 = tpu.memref_slice %arg11[%dma_start3A_577] : memref<128xi32, #tpu.memory_space<vmem>> -> memref<32xi32, #tpu.memory_space<vmem>>
    %dma_start3A_579 = arith.constant 0 : i32
    %dma_start3A_580 = arith.constant 0 : i32
    %dma_start3A_581 = tpu.memref_slice %arg2[%dma_start3A_579, %dma_start3A_580] : memref<100000x768xf32, #tpu.memory_space<hbm>> -> memref<100000x768xf32, #tpu.memory_space<hbm>>
    tpu.enqueue_indirect_dma source(%dma_start3A_581 : memref<100000x768xf32, #tpu.memory_space<hbm>>) target(%dma_start3A_576 : memref<32x768xf32, #tpu.memory_space<vmem>>) offsets(%dma_start3A_578 : memref<32xi32, #tpu.memory_space<vmem>>) semaphore(%arg18 : memref<!tpu.dma_semaphore, #tpu.memory_space<semaphore_mem>>)
    %add3A_582 = arith.constant 32 : i32
    %add3A_583 = arith.addi %mul3A_4, %add3A_582 : i32
    %dma_start3A_584 = arith.constant 32 : i32
    %dma_start3A_585 = tpu.memref_slice %arg14[%dma_start3A_584] : memref<128xf32, #tpu.memory_space<vmem>> -> memref<32xf32, #tpu.memory_space<vmem>>
    %dma_start3A_586 = arith.constant 32 : i32
    %dma_start3A_587 = tpu.memref_slice %arg11[%dma_start3A_586] : memref<128xi32, #tpu.memory_space<vmem>> -> memref<32xi32, #tpu.memory_space<vmem>>
    %dma_start3A_588 = arith.constant 0 : i32
    %dma_start3A_589 = tpu.memref_slice %arg3[%dma_start3A_588] : memref<100000xf32, #tpu.memory_space<hbm>> -> memref<100000xf32, #tpu.memory_space<hbm>>
    tpu.enqueue_indirect_dma source(%dma_start3A_589 : memref<100000xf32, #tpu.memory_space<hbm>>) target(%dma_start3A_585 : memref<32xf32, #tpu.memory_space<vmem>>) offsets(%dma_start3A_587 : memref<32xi32, #tpu.memory_space<vmem>>) semaphore(%arg23 : memref<!tpu.dma_semaphore, #tpu.memory_space<semaphore_mem>>)
    %add3A_590 = arith.constant 32 : i32
    %add3A_591 = arith.addi %mul3A_4, %add3A_590 : i32
    %dma_wait3A_592 = arith.constant 1 : i32
    %dma_wait3A_593 = arith.constant 0 : i32
    %dma_wait3A_594 = arith.constant 0 : i32
    %dma_wait3A_595 = tpu.memref_slice %arg12[%dma_wait3A_592, %dma_wait3A_593, %dma_wait3A_594] : memref<4x32x768xf32, #tpu.memory_space<vmem>> -> memref<1x32x768xf32, #tpu.memory_space<vmem>>
    %dma_wait3A_596 = tpu.memref_squeeze %dma_wait3A_595 : memref<1x32x768xf32, #tpu.memory_space<vmem>> -> memref<32x768xf32, #tpu.memory_space<vmem>>
    %dma_wait3A_597 = arith.constant 32 : i32
    %dma_wait3A_598 = tpu.memref_slice %arg11[%dma_wait3A_597] : memref<128xi32, #tpu.memory_space<vmem>> -> memref<32xi32, #tpu.memory_space<vmem>>
    %dma_wait3A_599 = arith.constant 0 : i32
    %dma_wait3A_600 = arith.constant 0 : i32
    %dma_wait3A_601 = tpu.memref_slice %arg2[%dma_wait3A_599, %dma_wait3A_600] : memref<100000x768xf32, #tpu.memory_space<hbm>> -> memref<100000x768xf32, #tpu.memory_space<hbm>>
    tpu.wait_indirect_dma semaphore(%arg16 : memref<!tpu.dma_semaphore, #tpu.memory_space<semaphore_mem>>) src(%dma_wait3A_601 : memref<100000x768xf32, #tpu.memory_space<hbm>>) dst(%dma_wait3A_596 : memref<32x768xf32, #tpu.memory_space<vmem>>)
    %add3A_602 = arith.constant 32 : i32
    %add3A_603 = arith.addi %mul3A_4, %add3A_602 : i32
    %dma_start3A_604 = arith.constant 1 : i32
    %dma_start3A_605 = arith.constant 0 : i32
    %dma_start3A_606 = arith.constant 0 : i32
    %dma_start3A_607 = tpu.memref_slice %arg12[%dma_start3A_604, %dma_start3A_605, %dma_start3A_606] : memref<4x32x768xf32, #tpu.memory_space<vmem>> -> memref<1x32x768xf32, #tpu.memory_space<vmem>>
    %dma_start3A_608 = tpu.memref_squeeze %dma_start3A_607 : memref<1x32x768xf32, #tpu.memory_space<vmem>> -> memref<32x768xf32, #tpu.memory_space<vmem>>
    %dma_start3A_609 = arith.constant 0 : i32
    %dma_start3A_610 = tpu.memref_slice %arg7[%add3A_603, %dma_start3A_609] : memref<4096x768xf32, #tpu.memory_space<hbm>> -> memref<32x768xf32, #tpu.memory_space<hbm>>
    %dma_start3A_611 = arith.constant 0 : i32
    %dma_start3A_612 = tpu.memref_slice %arg7[%add3A_603, %dma_start3A_611] : memref<4096x768xf32, #tpu.memory_space<hbm>> -> memref<32x768xf32, #tpu.memory_space<hbm>>
    %dma_start3A_613 = arith.constant 0 : i32
    %dma_start3A_614 = arith.constant 0 : i32
    %dma_start3A_615 = tpu.memref_slice %arg12[%dma_start3A_604, %dma_start3A_613, %dma_start3A_614] : memref<4x32x768xf32, #tpu.memory_space<vmem>> -> memref<1x32x768xf32, #tpu.memory_space<vmem>>
    %dma_start3A_616 = tpu.memref_squeeze %dma_start3A_615 : memref<1x32x768xf32, #tpu.memory_space<vmem>> -> memref<32x768xf32, #tpu.memory_space<vmem>>
    tpu.enqueue_dma source(%dma_start3A_616 : memref<32x768xf32, #tpu.memory_space<vmem>>) target(%dma_start3A_612 : memref<32x768xf32, #tpu.memory_space<hbm>>) target_semaphore(%arg20 : memref<!tpu.dma_semaphore, #tpu.memory_space<semaphore_mem>>)
    %add3A_617 = arith.constant 64 : i32
    %add3A_618 = arith.addi %mul3A_4, %add3A_617 : i32
    %dma_start3A_619 = arith.constant 64 : i32
    %dma_start3A_620 = tpu.memref_slice %arg14[%dma_start3A_619] : memref<128xf32, #tpu.memory_space<vmem>> -> memref<32xf32, #tpu.memory_space<vmem>>
    %dma_start3A_621 = arith.constant 64 : i32
    %dma_start3A_622 = tpu.memref_slice %arg11[%dma_start3A_621] : memref<128xi32, #tpu.memory_space<vmem>> -> memref<32xi32, #tpu.memory_space<vmem>>
    %dma_start3A_623 = arith.constant 0 : i32
    %dma_start3A_624 = tpu.memref_slice %arg3[%dma_start3A_623] : memref<100000xf32, #tpu.memory_space<hbm>> -> memref<100000xf32, #tpu.memory_space<hbm>>
    tpu.enqueue_indirect_dma source(%dma_start3A_624 : memref<100000xf32, #tpu.memory_space<hbm>>) target(%dma_start3A_620 : memref<32xf32, #tpu.memory_space<vmem>>) offsets(%dma_start3A_622 : memref<32xi32, #tpu.memory_space<vmem>>) semaphore(%arg23 : memref<!tpu.dma_semaphore, #tpu.memory_space<semaphore_mem>>)
    %add3A_625 = arith.constant 64 : i32
    %add3A_626 = arith.addi %mul3A_4, %add3A_625 : i32
    %dma_wait3A_627 = arith.constant 2 : i32
    %dma_wait3A_628 = arith.constant 0 : i32
    %dma_wait3A_629 = arith.constant 0 : i32
    %dma_wait3A_630 = tpu.memref_slice %arg12[%dma_wait3A_627, %dma_wait3A_628, %dma_wait3A_629] : memref<4x32x768xf32, #tpu.memory_space<vmem>> -> memref<1x32x768xf32, #tpu.memory_space<vmem>>
    %dma_wait3A_631 = tpu.memref_squeeze %dma_wait3A_630 : memref<1x32x768xf32, #tpu.memory_space<vmem>> -> memref<32x768xf32, #tpu.memory_space<vmem>>
    %dma_wait3A_632 = arith.constant 64 : i32
    %dma_wait3A_633 = tpu.memref_slice %arg11[%dma_wait3A_632] : memref<128xi32, #tpu.memory_space<vmem>> -> memref<32xi32, #tpu.memory_space<vmem>>
    %dma_wait3A_634 = arith.constant 0 : i32
    %dma_wait3A_635 = arith.constant 0 : i32
    %dma_wait3A_636 = tpu.memref_slice %arg2[%dma_wait3A_634, %dma_wait3A_635] : memref<100000x768xf32, #tpu.memory_space<hbm>> -> memref<100000x768xf32, #tpu.memory_space<hbm>>
    tpu.wait_indirect_dma semaphore(%arg17 : memref<!tpu.dma_semaphore, #tpu.memory_space<semaphore_mem>>) src(%dma_wait3A_636 : memref<100000x768xf32, #tpu.memory_space<hbm>>) dst(%dma_wait3A_631 : memref<32x768xf32, #tpu.memory_space<vmem>>)
    %add3A_637 = arith.constant 64 : i32
    %add3A_638 = arith.addi %mul3A_4, %add3A_637 : i32
    %dma_start3A_639 = arith.constant 2 : i32
    %dma_start3A_640 = arith.constant 0 : i32
    %dma_start3A_641 = arith.constant 0 : i32
    %dma_start3A_642 = tpu.memref_slice %arg12[%dma_start3A_639, %dma_start3A_640, %dma_start3A_641] : memref<4x32x768xf32, #tpu.memory_space<vmem>> -> memref<1x32x768xf32, #tpu.memory_space<vmem>>
    %dma_start3A_643 = tpu.memref_squeeze %dma_start3A_642 : memref<1x32x768xf32, #tpu.memory_space<vmem>> -> memref<32x768xf32, #tpu.memory_space<vmem>>
    %dma_start3A_644 = arith.constant 0 : i32
    %dma_start3A_645 = tpu.memref_slice %arg7[%add3A_638, %dma_start3A_644] : memref<4096x768xf32, #tpu.memory_space<hbm>> -> memref<32x768xf32, #tpu.memory_space<hbm>>
    %dma_start3A_646 = arith.constant 0 : i32
    %dma_start3A_647 = tpu.memref_slice %arg7[%add3A_638, %dma_start3A_646] : memref<4096x768xf32, #tpu.memory_space<hbm>> -> memref<32x768xf32, #tpu.memory_space<hbm>>
    %dma_start3A_648 = arith.constant 0 : i32
    %dma_start3A_649 = arith.constant 0 : i32
    %dma_start3A_650 = tpu.memref_slice %arg12[%dma_start3A_639, %dma_start3A_648, %dma_start3A_649] : memref<4x32x768xf32, #tpu.memory_space<vmem>> -> memref<1x32x768xf32, #tpu.memory_space<vmem>>
    %dma_start3A_651 = tpu.memref_squeeze %dma_start3A_650 : memref<1x32x768xf32, #tpu.memory_space<vmem>> -> memref<32x768xf32, #tpu.memory_space<vmem>>
    tpu.enqueue_dma source(%dma_start3A_651 : memref<32x768xf32, #tpu.memory_space<vmem>>) target(%dma_start3A_647 : memref<32x768xf32, #tpu.memory_space<hbm>>) target_semaphore(%arg21 : memref<!tpu.dma_semaphore, #tpu.memory_space<semaphore_mem>>)
    %add3A_652 = arith.constant 96 : i32
    %add3A_653 = arith.addi %mul3A_4, %add3A_652 : i32
    %dma_start3A_654 = arith.constant 96 : i32
    %dma_start3A_655 = tpu.memref_slice %arg14[%dma_start3A_654] : memref<128xf32, #tpu.memory_space<vmem>> -> memref<32xf32, #tpu.memory_space<vmem>>
    %dma_start3A_656 = arith.constant 96 : i32
    %dma_start3A_657 = tpu.memref_slice %arg11[%dma_start3A_656] : memref<128xi32, #tpu.memory_space<vmem>> -> memref<32xi32, #tpu.memory_space<vmem>>
    %dma_start3A_658 = arith.constant 0 : i32
    %dma_start3A_659 = tpu.memref_slice %arg3[%dma_start3A_658] : memref<100000xf32, #tpu.memory_space<hbm>> -> memref<100000xf32, #tpu.memory_space<hbm>>
    tpu.enqueue_indirect_dma source(%dma_start3A_659 : memref<100000xf32, #tpu.memory_space<hbm>>) target(%dma_start3A_655 : memref<32xf32, #tpu.memory_space<vmem>>) offsets(%dma_start3A_657 : memref<32xi32, #tpu.memory_space<vmem>>) semaphore(%arg23 : memref<!tpu.dma_semaphore, #tpu.memory_space<semaphore_mem>>)
    %add3A_660 = arith.constant 96 : i32
    %add3A_661 = arith.addi %mul3A_4, %add3A_660 : i32
    %dma_wait3A_662 = arith.constant 3 : i32
    %dma_wait3A_663 = arith.constant 0 : i32
    %dma_wait3A_664 = arith.constant 0 : i32
    %dma_wait3A_665 = tpu.memref_slice %arg12[%dma_wait3A_662, %dma_wait3A_663, %dma_wait3A_664] : memref<4x32x768xf32, #tpu.memory_space<vmem>> -> memref<1x32x768xf32, #tpu.memory_space<vmem>>
    %dma_wait3A_666 = tpu.memref_squeeze %dma_wait3A_665 : memref<1x32x768xf32, #tpu.memory_space<vmem>> -> memref<32x768xf32, #tpu.memory_space<vmem>>
    %dma_wait3A_667 = arith.constant 96 : i32
    %dma_wait3A_668 = tpu.memref_slice %arg11[%dma_wait3A_667] : memref<128xi32, #tpu.memory_space<vmem>> -> memref<32xi32, #tpu.memory_space<vmem>>
    %dma_wait3A_669 = arith.constant 0 : i32
    %dma_wait3A_670 = arith.constant 0 : i32
    %dma_wait3A_671 = tpu.memref_slice %arg2[%dma_wait3A_669, %dma_wait3A_670] : memref<100000x768xf32, #tpu.memory_space<hbm>> -> memref<100000x768xf32, #tpu.memory_space<hbm>>
    tpu.wait_indirect_dma semaphore(%arg18 : memref<!tpu.dma_semaphore, #tpu.memory_space<semaphore_mem>>) src(%dma_wait3A_671 : memref<100000x768xf32, #tpu.memory_space<hbm>>) dst(%dma_wait3A_666 : memref<32x768xf32, #tpu.memory_space<vmem>>)
    %add3A_672 = arith.constant 96 : i32
    %add3A_673 = arith.addi %mul3A_4, %add3A_672 : i32
    %dma_start3A_674 = arith.constant 3 : i32
    %dma_start3A_675 = arith.constant 0 : i32
    %dma_start3A_676 = arith.constant 0 : i32
    %dma_start3A_677 = tpu.memref_slice %arg12[%dma_start3A_674, %dma_start3A_675, %dma_start3A_676] : memref<4x32x768xf32, #tpu.memory_space<vmem>> -> memref<1x32x768xf32, #tpu.memory_space<vmem>>
    %dma_start3A_678 = tpu.memref_squeeze %dma_start3A_677 : memref<1x32x768xf32, #tpu.memory_space<vmem>> -> memref<32x768xf32, #tpu.memory_space<vmem>>
    %dma_start3A_679 = arith.constant 0 : i32
    %dma_start3A_680 = tpu.memref_slice %arg7[%add3A_673, %dma_start3A_679] : memref<4096x768xf32, #tpu.memory_space<hbm>> -> memref<32x768xf32, #tpu.memory_space<hbm>>
    %dma_start3A_681 = arith.constant 0 : i32
    %dma_start3A_682 = tpu.memref_slice %arg7[%add3A_673, %dma_start3A_681] : memref<4096x768xf32, #tpu.memory_space<hbm>> -> memref<32x768xf32, #tpu.memory_space<hbm>>
    %dma_start3A_683 = arith.constant 0 : i32
    %dma_start3A_684 = arith.constant 0 : i32
    %dma_start3A_685 = tpu.memref_slice %arg12[%dma_start3A_674, %dma_start3A_683, %dma_start3A_684] : memref<4x32x768xf32, #tpu.memory_space<vmem>> -> memref<1x32x768xf32, #tpu.memory_space<vmem>>
    %dma_start3A_686 = tpu.memref_squeeze %dma_start3A_685 : memref<1x32x768xf32, #tpu.memory_space<vmem>> -> memref<32x768xf32, #tpu.memory_space<vmem>>
    tpu.enqueue_dma source(%dma_start3A_686 : memref<32x768xf32, #tpu.memory_space<vmem>>) target(%dma_start3A_682 : memref<32x768xf32, #tpu.memory_space<hbm>>) target_semaphore(%arg22 : memref<!tpu.dma_semaphore, #tpu.memory_space<semaphore_mem>>)
    %add3A_687 = arith.constant 0 : i32
    %add3A_688 = arith.addi %mul3A_4, %add3A_687 : i32
    %dma_wait3A_689 = arith.constant 0 : i32
    %dma_wait3A_690 = arith.constant 0 : i32
    %dma_wait3A_691 = arith.constant 0 : i32
    %dma_wait3A_692 = tpu.memref_slice %arg12[%dma_wait3A_689, %dma_wait3A_690, %dma_wait3A_691] : memref<4x32x768xf32, #tpu.memory_space<vmem>> -> memref<1x32x768xf32, #tpu.memory_space<vmem>>
    %dma_wait3A_693 = tpu.memref_squeeze %dma_wait3A_692 : memref<1x32x768xf32, #tpu.memory_space<vmem>> -> memref<32x768xf32, #tpu.memory_space<vmem>>
    %dma_wait3A_694 = arith.constant 0 : i32
    %dma_wait3A_695 = tpu.memref_slice %arg7[%add3A_688, %dma_wait3A_694] : memref<4096x768xf32, #tpu.memory_space<hbm>> -> memref<32x768xf32, #tpu.memory_space<hbm>>
    %dma_wait3A_696 = arith.constant 0 : i32
    %dma_wait3A_697 = tpu.memref_slice %arg7[%add3A_688, %dma_wait3A_696] : memref<4096x768xf32, #tpu.memory_space<hbm>> -> memref<32x768xf32, #tpu.memory_space<hbm>>
    %dma_wait3A_698 = arith.constant 0 : i32
    %dma_wait3A_699 = arith.constant 0 : i32
    %dma_wait3A_700 = tpu.memref_slice %arg12[%dma_wait3A_689, %dma_wait3A_698, %dma_wait3A_699] : memref<4x32x768xf32, #tpu.memory_space<vmem>> -> memref<1x32x768xf32, #tpu.memory_space<vmem>>
    %dma_wait3A_701 = tpu.memref_squeeze %dma_wait3A_700 : memref<1x32x768xf32, #tpu.memory_space<vmem>> -> memref<32x768xf32, #tpu.memory_space<vmem>>
    tpu.wait_dma2 semaphore(%arg19 : memref<!tpu.dma_semaphore, #tpu.memory_space<semaphore_mem>>) src(%dma_wait3A_701 : memref<32x768xf32, #tpu.memory_space<vmem>>) dst(%dma_wait3A_697 : memref<32x768xf32, #tpu.memory_space<hbm>>)
    %add3A_702 = arith.constant 32 : i32
    %add3A_703 = arith.addi %mul3A_4, %add3A_702 : i32
    %dma_wait3A_704 = arith.constant 1 : i32
    %dma_wait3A_705 = arith.constant 0 : i32
    %dma_wait3A_706 = arith.constant 0 : i32
    %dma_wait3A_707 = tpu.memref_slice %arg12[%dma_wait3A_704, %dma_wait3A_705, %dma_wait3A_706] : memref<4x32x768xf32, #tpu.memory_space<vmem>> -> memref<1x32x768xf32, #tpu.memory_space<vmem>>
    %dma_wait3A_708 = tpu.memref_squeeze %dma_wait3A_707 : memref<1x32x768xf32, #tpu.memory_space<vmem>> -> memref<32x768xf32, #tpu.memory_space<vmem>>
    %dma_wait3A_709 = arith.constant 0 : i32
    %dma_wait3A_710 = tpu.memref_slice %arg7[%add3A_703, %dma_wait3A_709] : memref<4096x768xf32, #tpu.memory_space<hbm>> -> memref<32x768xf32, #tpu.memory_space<hbm>>
    %dma_wait3A_711 = arith.constant 0 : i32
    %dma_wait3A_712 = tpu.memref_slice %arg7[%add3A_703, %dma_wait3A_711] : memref<4096x768xf32, #tpu.memory_space<hbm>> -> memref<32x768xf32, #tpu.memory_space<hbm>>
    %dma_wait3A_713 = arith.constant 0 : i32
    %dma_wait3A_714 = arith.constant 0 : i32
    %dma_wait3A_715 = tpu.memref_slice %arg12[%dma_wait3A_704, %dma_wait3A_713, %dma_wait3A_714] : memref<4x32x768xf32, #tpu.memory_space<vmem>> -> memref<1x32x768xf32, #tpu.memory_space<vmem>>
    %dma_wait3A_716 = tpu.memref_squeeze %dma_wait3A_715 : memref<1x32x768xf32, #tpu.memory_space<vmem>> -> memref<32x768xf32, #tpu.memory_space<vmem>>
    tpu.wait_dma2 semaphore(%arg20 : memref<!tpu.dma_semaphore, #tpu.memory_space<semaphore_mem>>) src(%dma_wait3A_716 : memref<32x768xf32, #tpu.memory_space<vmem>>) dst(%dma_wait3A_712 : memref<32x768xf32, #tpu.memory_space<hbm>>)
    %add3A_717 = arith.constant 64 : i32
    %add3A_718 = arith.addi %mul3A_4, %add3A_717 : i32
    %dma_wait3A_719 = arith.constant 2 : i32
    %dma_wait3A_720 = arith.constant 0 : i32
    %dma_wait3A_721 = arith.constant 0 : i32
    %dma_wait3A_722 = tpu.memref_slice %arg12[%dma_wait3A_719, %dma_wait3A_720, %dma_wait3A_721] : memref<4x32x768xf32, #tpu.memory_space<vmem>> -> memref<1x32x768xf32, #tpu.memory_space<vmem>>
    %dma_wait3A_723 = tpu.memref_squeeze %dma_wait3A_722 : memref<1x32x768xf32, #tpu.memory_space<vmem>> -> memref<32x768xf32, #tpu.memory_space<vmem>>
    %dma_wait3A_724 = arith.constant 0 : i32
    %dma_wait3A_725 = tpu.memref_slice %arg7[%add3A_718, %dma_wait3A_724] : memref<4096x768xf32, #tpu.memory_space<hbm>> -> memref<32x768xf32, #tpu.memory_space<hbm>>
    %dma_wait3A_726 = arith.constant 0 : i32
    %dma_wait3A_727 = tpu.memref_slice %arg7[%add3A_718, %dma_wait3A_726] : memref<4096x768xf32, #tpu.memory_space<hbm>> -> memref<32x768xf32, #tpu.memory_space<hbm>>
    %dma_wait3A_728 = arith.constant 0 : i32
    %dma_wait3A_729 = arith.constant 0 : i32
    %dma_wait3A_730 = tpu.memref_slice %arg12[%dma_wait3A_719, %dma_wait3A_728, %dma_wait3A_729] : memref<4x32x768xf32, #tpu.memory_space<vmem>> -> memref<1x32x768xf32, #tpu.memory_space<vmem>>
    %dma_wait3A_731 = tpu.memref_squeeze %dma_wait3A_730 : memref<1x32x768xf32, #tpu.memory_space<vmem>> -> memref<32x768xf32, #tpu.memory_space<vmem>>
    tpu.wait_dma2 semaphore(%arg21 : memref<!tpu.dma_semaphore, #tpu.memory_space<semaphore_mem>>) src(%dma_wait3A_731 : memref<32x768xf32, #tpu.memory_space<vmem>>) dst(%dma_wait3A_727 : memref<32x768xf32, #tpu.memory_space<hbm>>)
    %add3A_732 = arith.constant 96 : i32
    %add3A_733 = arith.addi %mul3A_4, %add3A_732 : i32
    %dma_wait3A_734 = arith.constant 3 : i32
    %dma_wait3A_735 = arith.constant 0 : i32
    %dma_wait3A_736 = arith.constant 0 : i32
    %dma_wait3A_737 = tpu.memref_slice %arg12[%dma_wait3A_734, %dma_wait3A_735, %dma_wait3A_736] : memref<4x32x768xf32, #tpu.memory_space<vmem>> -> memref<1x32x768xf32, #tpu.memory_space<vmem>>
    %dma_wait3A_738 = tpu.memref_squeeze %dma_wait3A_737 : memref<1x32x768xf32, #tpu.memory_space<vmem>> -> memref<32x768xf32, #tpu.memory_space<vmem>>
    %dma_wait3A_739 = arith.constant 0 : i32
    %dma_wait3A_740 = tpu.memref_slice %arg7[%add3A_733, %dma_wait3A_739] : memref<4096x768xf32, #tpu.memory_space<hbm>> -> memref<32x768xf32, #tpu.memory_space<hbm>>
    %dma_wait3A_741 = arith.constant 0 : i32
    %dma_wait3A_742 = tpu.memref_slice %arg7[%add3A_733, %dma_wait3A_741] : memref<4096x768xf32, #tpu.memory_space<hbm>> -> memref<32x768xf32, #tpu.memory_space<hbm>>
    %dma_wait3A_743 = arith.constant 0 : i32
    %dma_wait3A_744 = arith.constant 0 : i32
    %dma_wait3A_745 = tpu.memref_slice %arg12[%dma_wait3A_734, %dma_wait3A_743, %dma_wait3A_744] : memref<4x32x768xf32, #tpu.memory_space<vmem>> -> memref<1x32x768xf32, #tpu.memory_space<vmem>>
    %dma_wait3A_746 = tpu.memref_squeeze %dma_wait3A_745 : memref<1x32x768xf32, #tpu.memory_space<vmem>> -> memref<32x768xf32, #tpu.memory_space<vmem>>
    tpu.wait_dma2 semaphore(%arg22 : memref<!tpu.dma_semaphore, #tpu.memory_space<semaphore_mem>>) src(%dma_wait3A_746 : memref<32x768xf32, #tpu.memory_space<vmem>>) dst(%dma_wait3A_742 : memref<32x768xf32, #tpu.memory_space<hbm>>)
    %dma_wait3A_747 = arith.constant 0 : i32
    %dma_wait3A_748 = tpu.memref_slice %arg3[%dma_wait3A_747] : memref<100000xf32, #tpu.memory_space<hbm>> -> memref<100000xf32, #tpu.memory_space<hbm>>
    tpu.wait_indirect_dma semaphore(%arg23 : memref<!tpu.dma_semaphore, #tpu.memory_space<semaphore_mem>>) src(%dma_wait3A_748 : memref<100000xf32, #tpu.memory_space<hbm>>) dst(%arg13 : memref<256xf32, #tpu.memory_space<vmem>>)
    %dma_wait3A_749 = arith.constant 0 : i32
    %dma_wait3A_750 = tpu.memref_slice %arg3[%dma_wait3A_749] : memref<100000xf32, #tpu.memory_space<hbm>> -> memref<100000xf32, #tpu.memory_space<hbm>>
    tpu.wait_indirect_dma semaphore(%arg23 : memref<!tpu.dma_semaphore, #tpu.memory_space<semaphore_mem>>) src(%dma_wait3A_750 : memref<100000xf32, #tpu.memory_space<hbm>>) dst(%arg14 : memref<128xf32, #tpu.memory_space<vmem>>)
    "tpu.region"() ({
      %run_scoped3A = tpu.sem_alloc : memref<!tpu.dma_semaphore, #tpu.memory_space<semaphore_mem>>
      %dma_start3A_751 = tpu.memref_slice %arg8[%mul3A_2] : memref<8192xf32, #tpu.memory_space<hbm>> -> memref<256xf32, #tpu.memory_space<hbm>>
      %dma_start3A_752 = tpu.memref_slice %arg8[%mul3A_2] : memref<8192xf32, #tpu.memory_space<hbm>> -> memref<256xf32, #tpu.memory_space<hbm>>
      tpu.enqueue_dma source(%arg13 : memref<256xf32, #tpu.memory_space<vmem>>) target(%dma_start3A_752 : memref<256xf32, #tpu.memory_space<hbm>>) target_semaphore(%run_scoped3A : memref<!tpu.dma_semaphore, #tpu.memory_space<semaphore_mem>>)
      %dma_wait3A_753 = tpu.memref_slice %arg8[%mul3A_2] : memref<8192xf32, #tpu.memory_space<hbm>> -> memref<256xf32, #tpu.memory_space<hbm>>
      %dma_wait3A_754 = tpu.memref_slice %arg8[%mul3A_2] : memref<8192xf32, #tpu.memory_space<hbm>> -> memref<256xf32, #tpu.memory_space<hbm>>
      tpu.wait_dma2 semaphore(%run_scoped3A : memref<!tpu.dma_semaphore, #tpu.memory_space<semaphore_mem>>) src(%arg13 : memref<256xf32, #tpu.memory_space<vmem>>) dst(%dma_wait3A_754 : memref<256xf32, #tpu.memory_space<hbm>>)
      tpu.yield
    }) : () -> ()
    "tpu.region"() ({
      %run_scoped3A = tpu.sem_alloc : memref<!tpu.dma_semaphore, #tpu.memory_space<semaphore_mem>>
      %dma_start3A_751 = tpu.memref_slice %arg9[%mul3A_4] : memref<4096xf32, #tpu.memory_space<hbm>> -> memref<128xf32, #tpu.memory_space<hbm>>
      %dma_start3A_752 = tpu.memref_slice %arg9[%mul3A_4] : memref<4096xf32, #tpu.memory_space<hbm>> -> memref<128xf32, #tpu.memory_space<hbm>>
      tpu.enqueue_dma source(%arg14 : memref<128xf32, #tpu.memory_space<vmem>>) target(%dma_start3A_752 : memref<128xf32, #tpu.memory_space<hbm>>) target_semaphore(%run_scoped3A : memref<!tpu.dma_semaphore, #tpu.memory_space<semaphore_mem>>)
      %dma_wait3A_753 = tpu.memref_slice %arg9[%mul3A_4] : memref<4096xf32, #tpu.memory_space<hbm>> -> memref<128xf32, #tpu.memory_space<hbm>>
      %dma_wait3A_754 = tpu.memref_slice %arg9[%mul3A_4] : memref<4096xf32, #tpu.memory_space<hbm>> -> memref<128xf32, #tpu.memory_space<hbm>>
      tpu.wait_dma2 semaphore(%run_scoped3A : memref<!tpu.dma_semaphore, #tpu.memory_space<semaphore_mem>>) src(%arg14 : memref<128xf32, #tpu.memory_space<vmem>>) dst(%dma_wait3A_754 : memref<128xf32, #tpu.memory_space<hbm>>)
      tpu.yield
    }) : () -> ()
    return
  }
}

module attributes {stable_mosaic.version = 14 : i64} {
  func.func @_tc_body(%arg0: i32, %arg1: i32, %arg2: memref<1x1024x768xf32, #tpu.memory_space<vmem>>, %arg3: memref<1x1024x768xf32, #tpu.memory_space<vmem>>, %arg4: memref<1x1x1024xf32, #tpu.memory_space<vmem>>, %arg5: memref<1x1x1024xi32, #tpu.memory_space<vmem>>, %arg6: memref<1x1024x768xf32, #tpu.memory_space<vmem>>, %arg7: memref<1x1x1024xi32, #tpu.memory_space<vmem>>, %arg8: memref<1x1x1024xf32, #tpu.memory_space<vmem>>, %arg9: memref<1x1x1024xf32, #tpu.memory_space<vmem>>, %arg10: memref<1x1x1xf32, #tpu.memory_space<vmem>>, %arg11: memref<1x1024x768xf32, #tpu.memory_space<vmem>>) attributes {dimension_semantics = [#tpu.dimension_semantics<arbitrary>, #tpu.dimension_semantics<arbitrary>], iteration_bounds = array<i64: 4, 2>, scalar_prefetch = 0 : i64, scratch_operands = 0 : i64, tpu.core_type = #tpu.core_type<tc>, window_params = [{transform_indices = @transform_0, window_bounds = array<i64: 1, 1024, 768>}, {transform_indices = @transform_1, window_bounds = array<i64: 1, 1024, 768>}, {transform_indices = @transform_2, window_bounds = array<i64: 1, 1, 1024>}, {transform_indices = @transform_3, window_bounds = array<i64: 1, 1, 1024>}, {transform_indices = @transform_4, window_bounds = array<i64: 1, 1024, 768>}, {transform_indices = @transform_5, window_bounds = array<i64: 1, 1, 1024>}, {transform_indices = @transform_6, window_bounds = array<i64: 1, 1, 1024>}, {transform_indices = @transform_7, window_bounds = array<i64: 1, 1, 1024>}, {transform_indices = @transform_8, window_bounds = array<i64: 1, 1, 1>}, {transform_indices = @transform_9, window_bounds = array<i64: 1, 1024, 768>}]} {
    %get3A = arith.constant 0 : index
    %get3A_0 = arith.constant 0 : index
    %get3A_1 = arith.constant 0 : index
    %get3A_2 = vector.load %arg2[%get3A, %get3A_0, %get3A_1] : memref<1x1024x768xf32, #tpu.memory_space<vmem>>, vector<1x1024x768xf32>
    %get3A_3 = vector.shape_cast %get3A_2 : vector<1x1024x768xf32> to vector<1024x768xf32>
    %swap3A = arith.constant 0 : index
    %swap3A_4 = arith.constant 0 : index
    %swap3A_5 = arith.constant 0 : index
    %swap3A_6 = vector.load %arg11[%swap3A, %swap3A_4, %swap3A_5] : memref<1x1024x768xf32, #tpu.memory_space<vmem>>, vector<1x1024x768xf32>
    %swap3A_7 = vector.shape_cast %swap3A_6 : vector<1x1024x768xf32> to vector<1024x768xf32>
    %swap3A_8 = vector.shape_cast %get3A_3 : vector<1024x768xf32> to vector<1x1024x768xf32>
    tpu.vector_store %arg11[%swap3A, %swap3A_4, %swap3A_5], %swap3A_8 {strides = array<i32>} : memref<1x1024x768xf32, #tpu.memory_space<vmem>>, vector<1x1024x768xf32>,
    %get3A_9 = arith.constant 0 : index
    %get3A_10 = arith.constant 0 : index
    %get3A_11 = arith.constant 0 : index
    %get3A_12 = vector.load %arg3[%get3A_9, %get3A_10, %get3A_11] : memref<1x1024x768xf32, #tpu.memory_space<vmem>>, vector<1x1024x768xf32>
    %get3A_13 = vector.shape_cast %get3A_12 : vector<1x1024x768xf32> to vector<1024x768xf32>
    %mul3A = arith.mulf %get3A_3, %get3A_13 : vector<1024x768xf32>
    %reduce_sum3A = arith.constant dense<0.000000e+00> : vector<1024xf32>
    %reduce_sum3A_14 = vector.multi_reduction <add>, %mul3A, %reduce_sum3A [1] : vector<1024x768xf32> to vector<1024xf32>
    %broadcast_in_dim3A = vector.shape_cast %reduce_sum3A_14 : vector<1024xf32> to vector<1024x1xf32>
    %get3A_15 = arith.constant 0 : index
    %get3A_16 = arith.constant 0 : index
    %get3A_17 = arith.constant 0 : index
    %get3A_18 = vector.load %arg5[%get3A_15, %get3A_16, %get3A_17] : memref<1x1x1024xi32, #tpu.memory_space<vmem>>, vector<1x1x1024xi32>
    %get3A_19 = vector.shape_cast %get3A_18 : vector<1x1x1024xi32> to vector<1x1024xi32>
    %convert_element_type3A = arith.sitofp %get3A_19 : vector<1x1024xi32> to vector<1x1024xf32>
    %add3A = arith.constant 2.000000e+00 : f32
    %add3A_20 = vector.broadcast %add3A : f32 to vector<1x1024xf32>
    %add3A_21 = arith.addf %convert_element_type3A, %add3A_20 : vector<1x1024xf32>
    %log3A = math.log %add3A_21 : vector<1x1024xf32>
    %add3A_22 = arith.constant 1.000000e+00 : f32
    %add3A_23 = vector.broadcast %add3A_22 : f32 to vector<1x1024xf32>
    %add3A_24 = arith.addf %convert_element_type3A, %add3A_23 : vector<1x1024xf32>
    %log3A_25 = math.log %add3A_24 : vector<1x1024xf32>
    %sub3A = arith.subf %log3A, %log3A_25 : vector<1x1024xf32>
    %log3A_26 = arith.constant 1.000010e+05 : f32
    %log3A_27 = math.log %log3A_26 : f32
    %div3A = vector.broadcast %log3A_27 : f32 to vector<1x1024xf32>
    %div3A_28 = arith.divf %sub3A, %div3A : vector<1x1024xf32>
    %get3A_29 = arith.constant 0 : index
    %get3A_30 = arith.constant 0 : index
    %get3A_31 = arith.constant 0 : index
    %get3A_32 = vector.load %arg4[%get3A_29, %get3A_30, %get3A_31] : memref<1x1x1024xf32, #tpu.memory_space<vmem>>, vector<1x1x1024xf32>
    %get3A_33 = vector.shape_cast %get3A_32 : vector<1x1x1024xf32> to vector<1x1024xf32>
    %mul3A_34 = arith.constant 1.000000e+03 : f32
    %mul3A_35 = vector.broadcast %mul3A_34 : f32 to vector<1x1024xf32>
    %mul3A_36 = arith.mulf %mul3A_35, %div3A_28 : vector<1x1024xf32>
    %log3A_37 = math.log %mul3A_36 : vector<1x1024xf32>
    %sub3A_38 = arith.subf %get3A_33, %log3A_37 : vector<1x1024xf32>
    %transpose3A = tpu.transpose %sub3A_38, [1, 0] : vector<1x1024xf32> -> vector<1024x1xf32>
    %add3A_39 = arith.addf %broadcast_in_dim3A, %transpose3A : vector<1024x1xf32>
    %get3A_40 = arith.constant 0 : index
    %get3A_41 = arith.constant 0 : index
    %get3A_42 = arith.constant 0 : index
    %get3A_43 = vector.load %arg6[%get3A_40, %get3A_41, %get3A_42] : memref<1x1024x768xf32, #tpu.memory_space<vmem>>, vector<1x1024x768xf32>
    %get3A_44 = vector.shape_cast %get3A_43 : vector<1x1024x768xf32> to vector<1024x768xf32>
    %convert_element_type3A_45 = arith.truncf %get3A_3 : vector<1024x768xf32> to vector<1024x768xbf16>
    %convert_element_type3A_46 = arith.truncf %get3A_44 : vector<1024x768xf32> to vector<1024x768xbf16>
    %dot_general3A = arith.constant dense<0.000000e+00> : vector<1024x1024xf32>
    %dot_general3A_47 = tpu.matmul %convert_element_type3A_45, %convert_element_type3A_46, %dot_general3A {dimension_numbers = #tpu.dot_dimension_numbers<[1], [1], [0], [0], [0, 0, 1, 0], [], []>, transpose_lhs_hint = false} : vector<1024x768xbf16>, vector<1024x768xbf16>, vector<1024x1024xf32> -> vector<1024x1024xf32>
    %get3A_48 = arith.constant 0 : index
    %get3A_49 = arith.constant 0 : index
    %get3A_50 = arith.constant 0 : index
    %get3A_51 = vector.load %arg9[%get3A_48, %get3A_49, %get3A_50] : memref<1x1x1024xf32, #tpu.memory_space<vmem>>, vector<1x1x1024xf32>
    %get3A_52 = vector.shape_cast %get3A_51 : vector<1x1x1024xf32> to vector<1x1024xf32>
    %get3A_53 = arith.constant 0 : index
    %get3A_54 = arith.constant 0 : index
    %get3A_55 = arith.constant 0 : index
    %get3A_56 = vector.load %arg8[%get3A_53, %get3A_54, %get3A_55] : memref<1x1x1024xf32, #tpu.memory_space<vmem>>, vector<1x1x1024xf32>
    %get3A_57 = vector.shape_cast %get3A_56 : vector<1x1x1024xf32> to vector<1x1024xf32>
    %add3A_58 = arith.addf %get3A_52, %get3A_57 : vector<1x1024xf32>
    %add3A_59 = vector.broadcast %add3A_58 : vector<1x1024xf32> to vector<1024x1024xf32>
    %add3A_60 = arith.addf %dot_general3A_47, %add3A_59 : vector<1024x1024xf32>
    %exp3A = math.exp %add3A_60 : vector<1024x1024xf32>
    %transpose3A_61 = tpu.transpose %get3A_19, [1, 0] : vector<1x1024xi32> -> vector<1024x1xi32>
    %get3A_62 = arith.constant 0 : index
    %get3A_63 = arith.constant 0 : index
    %get3A_64 = arith.constant 0 : index
    %get3A_65 = vector.load %arg7[%get3A_62, %get3A_63, %get3A_64] : memref<1x1x1024xi32, #tpu.memory_space<vmem>>, vector<1x1x1024xi32>
    %get3A_66 = vector.shape_cast %get3A_65 : vector<1x1x1024xi32> to vector<1x1024xi32>
    %eq3A = vector.broadcast %transpose3A_61 : vector<1024x1xi32> to vector<1024x1024xi32>
    %eq3A_67 = vector.broadcast %get3A_66 : vector<1x1024xi32> to vector<1024x1024xi32>
    %eq3A_68 = arith.cmpi eq, %eq3A, %eq3A_67 : vector<1024x1024xi32>
    %jit3A = arith.constant 0.000000e+00 : f32
    %broadcast_in_dim3A_69 = vector.broadcast %jit3A : f32 to vector<1024x1024xf32>
    %select_n3A = arith.select %eq3A_68, %broadcast_in_dim3A_69, %exp3A : vector<1024x1024xi1>, vector<1024x1024xf32>
    %reduce_sum3A_70 = arith.constant dense<0.000000e+00> : vector<1024xf32>
    %reduce_sum3A_71 = vector.multi_reduction <add>, %select_n3A, %reduce_sum3A_70 [1] : vector<1024x1024xf32> to vector<1024xf32>
    %broadcast_in_dim3A_72 = vector.shape_cast %reduce_sum3A_71 : vector<1024xf32> to vector<1024x1xf32>
    %exp3A_73 = math.exp %add3A_39 : vector<1024x1xf32>
    %add3A_74 = arith.addf %broadcast_in_dim3A_72, %exp3A_73 : vector<1024x1xf32>
    %log3A_75 = math.log %add3A_74 : vector<1024x1xf32>
    %sub3A_76 = arith.subf %log3A_75, %add3A_39 : vector<1024x1xf32>
    %reduce_sum3A_77 = arith.constant dense<0.000000e+00> : vector<1xf32>
    %reduce_sum3A_78 = vector.multi_reduction <add>, %sub3A_76, %reduce_sum3A_77 [0] : vector<1024x1xf32> to vector<1xf32>
    %broadcast_in_dim3A_79 = vector.shape_cast %reduce_sum3A_78 : vector<1xf32> to vector<1x1xf32>
    %swap3A_80 = arith.constant 0 : index
    %swap3A_81 = arith.constant 0 : index
    %swap3A_82 = arith.constant 0 : index
    %swap3A_83 = vector.load %arg10[%swap3A_80, %swap3A_81, %swap3A_82] : memref<1x1x1xf32, #tpu.memory_space<vmem>>, vector<1x1x1xf32>
    %swap3A_84 = vector.shape_cast %swap3A_83 : vector<1x1x1xf32> to vector<1x1xf32>
    %swap3A_85 = vector.shape_cast %broadcast_in_dim3A_79 : vector<1x1xf32> to vector<1x1x1xf32>
    tpu.vector_store %arg10[%swap3A_80, %swap3A_81, %swap3A_82], %swap3A_85 {strides = array<i32>} : memref<1x1x1xf32, #tpu.memory_space<vmem>>, vector<1x1x1xf32>,
    return
  }
  func.func @transform_0(%arg0: i32, %arg1: i32) -> (i32, i32, i32) {
    %c0_i32 = arith.constant 0 : i32
    %c0_i32_0 = arith.constant 0 : i32
    return %arg0, %arg1, %c0_i32 : i32, i32, i32
  }
  func.func @transform_1(%arg0: i32, %arg1: i32) -> (i32, i32, i32) {
    %c0_i32 = arith.constant 0 : i32
    %c0_i32_0 = arith.constant 0 : i32
    return %arg0, %arg1, %c0_i32 : i32, i32, i32
  }
  func.func @transform_2(%arg0: i32, %arg1: i32) -> (i32, i32, i32) {
    %mul3A = arith.constant 2 : i32
    %mul3A_0 = arith.muli %arg0, %mul3A : i32
    %add3A = arith.addi %mul3A_0, %arg1 : i32
    %c0_i32 = arith.constant 0 : i32
    %c0_i32_1 = arith.constant 0 : i32
    %c0_i32_2 = arith.constant 0 : i32
    return %add3A, %c0_i32, %c0_i32_1 : i32, i32, i32
  }
  func.func @transform_3(%arg0: i32, %arg1: i32) -> (i32, i32, i32) {
    %mul3A = arith.constant 2 : i32
    %mul3A_0 = arith.muli %arg0, %mul3A : i32
    %add3A = arith.addi %mul3A_0, %arg1 : i32
    %c0_i32 = arith.constant 0 : i32
    %c0_i32_1 = arith.constant 0 : i32
    %c0_i32_2 = arith.constant 0 : i32
    return %add3A, %c0_i32, %c0_i32_1 : i32, i32, i32
  }
  func.func @transform_4(%arg0: i32, %arg1: i32) -> (i32, i32, i32) {
    %c0_i32 = arith.constant 0 : i32
    %c0_i32_0 = arith.constant 0 : i32
    %c0_i32_1 = arith.constant 0 : i32
    return %arg0, %c0_i32, %c0_i32_0 : i32, i32, i32
  }
  func.func @transform_5(%arg0: i32, %arg1: i32) -> (i32, i32, i32) {
    %c0_i32 = arith.constant 0 : i32
    %c0_i32_0 = arith.constant 0 : i32
    %c0_i32_1 = arith.constant 0 : i32
    return %arg0, %c0_i32, %c0_i32_0 : i32, i32, i32
  }
  func.func @transform_6(%arg0: i32, %arg1: i32) -> (i32, i32, i32) {
    %c0_i32 = arith.constant 0 : i32
    %c0_i32_0 = arith.constant 0 : i32
    %c0_i32_1 = arith.constant 0 : i32
    return %arg0, %c0_i32, %c0_i32_0 : i32, i32, i32
  }
  func.func @transform_7(%arg0: i32, %arg1: i32) -> (i32, i32, i32) {
    %c0_i32 = arith.constant 0 : i32
    %c0_i32_0 = arith.constant 0 : i32
    %c0_i32_1 = arith.constant 0 : i32
    return %arg0, %c0_i32, %c0_i32_0 : i32, i32, i32
  }
  func.func @transform_8(%arg0: i32, %arg1: i32) -> (i32, i32, i32) {
    %mul3A = arith.constant 2 : i32
    %mul3A_0 = arith.muli %arg0, %mul3A : i32
    %add3A = arith.addi %mul3A_0, %arg1 : i32
    %c0_i32 = arith.constant 0 : i32
    %c0_i32_1 = arith.constant 0 : i32
    %c0_i32_2 = arith.constant 0 : i32
    return %add3A, %c0_i32, %c0_i32_1 : i32, i32, i32
  }
  func.func @transform_9(%arg0: i32, %arg1: i32) -> (i32, i32, i32) {
    %c0_i32 = arith.constant 0 : i32
    %c0_i32_0 = arith.constant 0 : i32
    return %arg0, %arg1, %c0_i32 : i32, i32, i32
  }
}

</mosaic_0001>

<sc_bundles>
// kernel: kernel.4.cloned.1.call-start
scs
__scs_entry_jumppad:
0x0: {  	(pc) =	sbr.rel $0x88, $3  }
0x1: {  	(tag) =	ssettag $0x0;
	lr =	simm.s32 $0x1  }
0x2: {  	[smem:$0x3F9D] =	sst lr;
	_ =	strace $0xD0000000  }
0x3: {  	_ = 	snop  }
0x4: {  	_ = 	snop  }
0x5: {  	_ = 	snop  }
0x6: {  	_ = 	snop  }
0x7: {  	_ = 	snop  }
__scs_overlays_trampoline_lowered:
0x8: {  	[smem:$0x3FAC] =	sst s0  }
0x9: {  	[smem:$0x3FAD] =	sst s1  }
0xa: {  	[smem:$0x3FAE] =	sst s2  }
0xb: {  	[smem:$0x3FAF] =	sst s3  }
0xc: {  	[smem:$0x3FB0] =	sst s4  }
0xd: {  	[smem:$0x3FB1] =	sst s5  }
0xe: {  	[smem:$0x3FB2] =	sst s6  }
0xf: {  	[smem:$0x3FB3] =	sst s7  }
0x10: {  	[smem:$0x3FB4] =	sst s8  }
0x11: {  	[smem:$0x3FB5] =	sst s9;
	s0 =	simm.s32 @!p0 $0x0  }
0x12: {  	s1 =	sld [smem:$0x3F9B];
	s0 =	simm.s32 @p0 $0x1  }
0x13: {  	[smem:$0x3FB6] =	sst s0;
	s0 =	simm.s32 @!p1 $0x0  }
0x14: {  	s2 =	sld [smem:$0x3F9A];
	s0 =	simm.s32 @p1 $0x1  }
0x15: {  	[smem:$0x3FB7] =	sst s0;
	s0 =	simm.s32 @!p2 $0x0  }
0x16: {  	s3 =	sld [smem:$0x3FDB];
	s0 =	simm.s32 @p2 $0x1  }
0x17: {  	s4 =	simm.s32 $0x1BF5;
	[smem:$0x3FB9] =	sst s0  }
0x18: {  	s0 =	sld [smem:$0x3F9C];
	_ =	swait.ge [sflag:s4], $0x0  }
0x19: {  	s7 =	sld [smem:$0x3F9D]  }
0x1a: {  	s8 =	sadd.s32 $0xFFFFE003, lr  }
0x1b: {  	s9 =	sadd.s32 $0xFFFFFEF7, lr;
	s5 =	simm.s32 $0xFFFFFFFF;
	p2 =	slt.u32 s8, $0xFFFFF086  }
0x1c: {  	p1 =	slt.u32 s9, $0xF7A;
	s5 =	simm.s32 @!p2 $0x0  }
0x1d: {  	s5 =	simm.s32 @p1 $0x1;
	p0 =	seq.s32 s7, s2  }
0x1e: {  	s7 =	smul.u32 @!p0 $0xF7A, s2;
	p2 =	seq.s32 @!p0 s5, $0x0  }
0x1f: {  	s9 =	smul.u32 $0xF7A, s1;
	s8 =	simm.s32 @!p0 $0x1BF5;
	p2 =	por !p2, p0  }
0x20: {  	[sflag:s8] =	ssyncset.s32 @!p0 $0xFFFFF086;
	s6 =	sadd.s32 @!p0 s3, s7;
	s7 =	simm.s32 @!p0 $0x108  }
0x21: {  	s3 =	sadd.s32 s3, s9;
	s6 =	sadd.s32 @!p0 $0x88, s6;
	s7 =	simm.s32 @p2 $0x1082  }
0x22: {  	[simem:s7], [sflag:s8] =	dma.local @!p0 [hbm:s6], $0xF7A  }
0x23: {  	s9 =	sor.u32 $0xD0000000, s2;
	s6 =	simm.s32 $0x108;
	_ =	swait.ge @!p0 [sflag:s8], $0x0  }
0x24: {  	s3 =	sadd.s32 $0x88, s3;
	s6 =	simm.s32 @!p1 $0x1082;
	[sflag:s4] =	ssyncset.s32 $0xFFFFF086  }
0x25: {  	[simem:s6], [sflag:s4] =	dma.local [hbm:s3], $0xF7A  }
0x26: {  	[smem:$0x3F9D] =	sst s1;
	(tag) =	ssettag s2;
	_ =	strace s9  }
0x27: {  	s1 =	sld [smem:$0x3FAD]  }
0x28: {  	s2 =	sld [smem:$0x3FAE]  }
0x29: {  	s4 =	sld [smem:$0x3FB0]  }
0x2a: {  	p0 =	seq.s32 s5, $0x0;
	s5 =	sld [smem:$0x3FB1]  }
0x2b: {  	s6 =	sld [smem:$0x3FB2]  }
0x2c: {  	s7 =	sld [smem:$0x3FB3]  }
0x2d: {  	s3 =	simm.s32 $0x108;
	s8 =	sld [smem:$0x3FB4]  }
0x2e: {  	s3 =	simm.s32 @!p0 $0x1082;
	s9 =	sld [smem:$0x3FB5]  }
0x2f: {  	lr =	sadd.s32 s0, s3;
	s0 =	sld [smem:$0x3FAC]  }
0x30: {  	s3 =	sld [smem:$0x3FAF]  }
0x31: {  	[smem:$0x3FB8] =	sst s10  }
0x32: {  	s10 =	sld [smem:$0x3FB6];
	_ =	sdelay $0x3  }
0x33: {  	p0 =	seq.s32 s10, $0x1;
	s10 =	sld [smem:$0x3FB8];
	_ =	sdelay $0x3  }
0x34: {  	[smem:$0x3FB8] =	sst s10  }
0x35: {  	s10 =	sld [smem:$0x3FB7];
	_ =	sdelay $0x3  }
0x36: {  	p1 =	seq.s32 s10, $0x1;
	s10 =	sld [smem:$0x3FB8];
	_ =	sdelay $0x3  }
0x37: {  	[smem:$0x3FB8] =	sst s10  }
0x38: {  	s10 =	sld [smem:$0x3FB9]  }
0x39: {  	_ = 	snop;
	(pc) =	sbr.ind lr, $3  }
0x3a: {  	_ = 	snop  }
0x3b: {  	_ = 	snop  }
0x3c: {  	p2 =	seq.s32 s10, $0x1;
	s10 =	sld [smem:$0x3FB8]  }
0x3d: {  	_ =	shalt  }
0x3e: {  	_ =	shalt  }
0x3f: {  	_ =	shalt  }
0x40: {  	_ =	shalt  }
0x41: {  	_ =	shalt  }
0x42: {  	_ =	shalt  }
0x43: {  	_ =	shalt  }
0x44: {  	_ =	shalt  }
0x45: {  	_ =	shalt  }
0x46: {  	_ =	shalt  }
0x47: {  	_ =	shalt  }
0x48: {  	_ =	shalt  }
0x49: {  	_ =	shalt  }
0x4a: {  	_ =	shalt  }
0x4b: {  	_ =	shalt  }
0x4c: {  	_ =	shalt  }
0x4d: {  	_ =	shalt  }
0x4e: {  	_ =	shalt  }
0x4f: {  	_ =	shalt  }
0x50: {  	_ =	shalt  }
0x51: {  	_ =	shalt  }
0x52: {  	_ =	shalt  }
0x53: {  	_ =	shalt  }
0x54: {  	_ =	shalt  }
0x55: {  	_ =	shalt  }
0x56: {  	_ =	shalt  }
0x57: {  	_ =	shalt  }
0x58: {  	_ =	shalt  }
0x59: {  	_ =	shalt  }
0x5a: {  	_ =	shalt  }
0x5b: {  	_ =	shalt  }
0x5c: {  	_ =	shalt  }
0x5d: {  	_ =	shalt  }
0x5e: {  	_ =	shalt  }
0x5f: {  	_ =	shalt  }
0x60: {  	_ =	shalt  }
0x61: {  	_ =	shalt  }
0x62: {  	_ =	shalt  }
0x63: {  	_ =	shalt  }
0x64: {  	_ =	shalt  }
0x65: {  	_ =	shalt  }
0x66: {  	_ =	shalt  }
0x67: {  	_ =	shalt  }
0x68: {  	_ =	shalt  }
0x69: {  	_ =	shalt  }
0x6a: {  	_ =	shalt  }
0x6b: {  	_ =	shalt  }
0x6c: {  	_ =	shalt  }
0x6d: {  	_ =	shalt  }
0x6e: {  	_ =	shalt  }
0x6f: {  	_ =	shalt  }
0x70: {  	_ =	shalt  }
0x71: {  	_ =	shalt  }
0x72: {  	_ =	shalt  }
0x73: {  	_ =	shalt  }
0x74: {  	_ =	shalt  }
0x75: {  	_ =	shalt  }
0x76: {  	_ =	shalt  }
0x77: {  	_ =	shalt  }
0x78: {  	_ =	shalt  }
0x79: {  	_ =	shalt  }
0x7a: {  	_ =	shalt  }
0x7b: {  	_ =	shalt  }
0x7c: {  	_ =	shalt  }
0x7d: {  	_ =	shalt  }
0x7e: {  	_ =	shalt  }
0x7f: {  	_ =	shalt  }
0x80: {  	_ =	shalt  }
0x81: {  	_ =	shalt  }
0x82: {  	_ =	shalt  }
0x83: {  	_ =	shalt  }
0x84: {  	_ =	shalt  }
0x85: {  	_ =	shalt  }
0x86: {  	_ =	shalt  }
0x87: {  	_ =	shalt  }
.Lfunc_end0:
.L_simem_size_0:
called_computation_lowered:
.L_overlay_start_0:
0x88: {  	s2 =	sld [smem:$0x3FD9]  }
0x89: {  	s3 =	sld [smem:$0x3FFE];
	_ =	sdelay $0x1  }
0x8a: {  	s1 =	srdreg.scid  }
0x8b: {  	s0 =	sand.u32 $0x1, s1  }
0x8c: {  	s14 =	sshll.u32 s0, $0xA;
	s2 =	sadd.s32 s3, s2  }
0x8d: {  	s2 =	sadd.s32 s2, s14  }
0x8e: {  	[smem:$0x3FC4] =	sst s2  }
0x8f: {  	_ = 	snop  }
0x90: {  	s2 =	sld [smem:$0x3FD0]  }
0x91: {  	s15 =	sld [smem:$0x3FC8]  }
0x92: {  	s4 =	sld [smem:$0x3FC7]  }
0x93: {  	s6 =	simm.s32 $0xA;
	s7 =	simm.s32 $0x10;
	s5 =	sld [smem:$0x3FC6]  }
0x94: {  	[smem:s7], [sflag:s6] =	dma.local [hbm:s2], $0x1  }
0x95: {  	_ =	swait.eq [sflag:s6], $0x1  }
0x96: {  	[sflag:s6] =	ssyncset.done $0x0  }
0x97: {  	[sflag:s6] =	ssyncadd.s32 $0xFFFFFFFF  }
0x98: {  	s16 =	sld [smem:$0x10];
	(tm) =	ssettm $0x1  }
0x99: {  	s17 =	sld [smem:$0x3FFB];
	_ =	sdelay $0x3  }
0x9a: {  	_ =	strace s17  }
0x9b: {  	s6 =	sld [smem:$0x3FFC];
	_ =	sdelay $0x3  }
0x9c: {  	_ =	strace s6  }
0x9d: {  	s6 =	sld [smem:$0x3FFD];
	_ =	sdelay $0x3  }
0x9e: {  	_ =	strace s6  }
0x9f: {  	_ =	strace $0x8FFFFFFF  }
0xa0: {  	s18 =	sld [smem:$0x3FDB];
	_ =	sdelay $0x1  }
0xa1: {  	s19 =	simm.s32 $_scs_section_size  }
0xa2: {  	s8 =	simm.s32 $_size__tile_overlayer_lowered;
	s9 =	simm.s32 $_tile_overlayer_lowered  }
0xa3: {  	s22 =	simm.s32 $0x1BFF;
	s21 =	sshll.u32 s9, $0x1;
	s6 =	sadd.s32 s19, s18  }
0xa4: {  	s10 =	simm.s32 $0x0;
	s20 =	sshll.u32 s8, $0x1;
	s8 =	sadd.s32 s21, s6  }
0xa5: {  	[timem:s10], [sflag:s22] =	dma.local [hbm:s8], s20  }
0xa6: {  	_ =	swait.ge [sflag:s22], s20  }
0xa7: {  	s7 =	ssub.s32 $0x0, s20;
	[sflag:s22] =	ssyncset.done $0x0  }
0xa8: {  	[sflag:s22] =	ssyncadd.s32 s7;
	_ =	sdelay $0x1  }
0xa9: {  	s23 =	simm.s32 $0x1B8B  }
0xaa: {  	_ =	swait.ge [sflag:s23], $0x1  }
0xab: {  	[sflag:s23] =	ssyncset.done $0x0  }
0xac: {  	s25 =	simm.s32 $0x1B8E;
	s24 =	sld [smem:$0x3FFE];
	[sflag:s23] =	ssyncadd.s32 $0xFFFFFFFF  }
0xad: {  	s26 =	simm.s32 $execute0_lowered;
	[smem:$0x3FD2] =	sst s25  }
0xae: {  	s8 =	sshll.u32 s26, $0x1;
	_ =	strace $0x80000046;
	[dreg:$0x1] =	wrdreg $0xFFFFFFFF  }
0xaf: {  	s28 =	simm.s32 $_size_execute0_lowered;
	s6 =	sadd.s32 s6, s8;
	[dreg:$0x0] =	wrdreg $0x0  }
0xb0: {  	s8 =	sshll.u32 s28, $0x1;
	[dreg:$0x2] =	wrdreg s6  }
0xb1: {  	[dreg:$0x3] =	wrdreg s8  }
0xb2: {  	[dreg:$0x4] =	wrdreg $0xC0  }
0xb3: {  	_ =	task [dreg:s10], $0x5FFFF  }
0xb4: {  	[dreg:$0x1] =	wrdreg $0xFFFFFFFF  }
0xb5: {  	[dreg:$0x0] =	wrdreg $0x60  }
0xb6: {  	[dreg:$0x2] =	wrdreg s4  }
0xb7: {  	[dreg:$0x3] =	wrdreg s5  }
0xb8: {  	[dreg:$0x4] =	wrdreg s15  }
0xb9: {  	[dreg:$0x5] =	wrdreg s24  }
0xba: {  	[dreg:$0x6] =	wrdreg s16  }
0xbb: {  	[dreg:$0x7] =	wrdreg $0x9  }
0xbc: {  	_ =	task.clear_ibuf [dreg:s10], $0x8FFFF;
	_ =	strace $0x90000046  }
0xbd: {  	s29 =	simm.s32 $0x9;
	_ =	strace $0x80000048  }
0xbe: {  	_ =	swait.ge [sflag:s29], $0x1  }
0xbf: {  	[sflag:s29] =	ssyncadd.s32 $0xFFFFFFFF  }
0xc0: {  	_ =	strace $0x90000048  }
0xc1: {  	_ =	sfence  }
0xc2: {  	s30 =	sld [smem:$0x0];
	_ =	sdelay $0x2  }
0xc3: {  	s31 =	sshll.u32 s1, $0xD;
	s1 =	sshrl.u32 s1, $0x2  }
0xc4: {  	s3 =	sand.u32 $0x4000, s31;
	s1 =	sadd.s32 s1, s30  }
0xc5: {  	s0 =	sor.u32 s3, s0;
	s1 =	sshll.u32 s1, $0x11  }
0xc6: {  	s0 =	sor.u32 s1, s0  }
0xc7: {  	s0 =	sadd.s32 $0x8F2B, s0  }
0xc8: {  	[sflag:s0] =	ssyncadd.remote.s32 $0x1  }
0xc9: {  	_ =	sfence.sel $0xFFFF  }
0xca: {  	[dreg:$0x0] =	wrdreg $0xFFFFFFFF;
	(pc) =	sbr.abs _section_cstart, $3  }
0xcb: {  	[dreg:$0x1] =	wrdreg $0xFFFFFFFF  }
0xcc: {  	_ =	task.clear_ibuf [dreg:s10], $0x2FFFF;
	_ =	strace $0x9FFFFFFF  }
0xcd: {  	(tm) =	ssettm $0x7FFFFFFF  }
tec
execute0_lowered:
.L_overlay_start_1:
0x0: {  	(tag) =	ssettag $0x1  }
0x1: {  	s1 =	rddreg [dreg:$0x0]  }
0x2: {  	s2 =	rddreg [dreg:$0x1]  }
0x3: {  	s0 =	rddreg [dreg:$0x2]  }
0x4: {  	s3 =	rddreg [dreg:$0x3]  }
0x5: {  	s5 =	rddreg [dreg:$0x4]  }
0x6: {  	s4 =	simm.s32 $0x0;
	s6 =	srdreg.scid;
	s7 =	stileid.u32  }
0x7: {  	s14 =	simm.s32 $0x181E0;
	s15 =	simm.s32 $0x80;
	[smem:$0x7FF] =	sst s4  }
0x8: {  	s6 =	sand.u32 $0x1, s6;
	s7 =	sshll.u32 s7, $0x1;
	s8 =	sadd.s32 $0x2E00, s3  }
0x9: {  	_ =	strace $0x80000047;
	s7 =	sor.u32 s6, s7;
	[dreg:$0x18] =	wrdreg s14  }
0xa: {  	[dreg:$0x19] =	wrdreg s15;
	s9 =	sshll.u32 s7, $0x5;
	s10 =	sshll.u32 s7, $0x4  }
0xb: {  	s11 =	smul.u32 $0x6000, s7;
	s10 =	sadd.s32 s10, s3;
	s0 =	sadd.s32 s0, s9  }
0xc: {  	s23 =	smul.u32 $0x3000, s7;
	[dreg:$0x6] =	wrdreg s0;
	s16 =	sadd.s32 $0x2600, s10  }
0xd: {  	s13 =	sadd.s32 s8, s11;
	[dreg:$0x7] =	wrdreg s16  }
0xe: {  	s26 =	sadd.s32 s5, s23;
	[smem:$0x7F5] =	sst s13  }
0xf: {  	s3 =	sadd.s32 s9, s3;
	s9 =	sadd.s32 $0x2C00, s10;
	[smem:$0x7F6] =	sst s26  }
0x10: {  	s12 =	smul.u32 $0x30000, s7;
	s10 =	simm.s32 $0x181A0;
	[dreg:$0x13] =	wrdreg s9  }
0x11: {  	s11 =	simm.s32 $0x40;
	[dreg:$0x14] =	wrdreg s10  }
0x12: {  	s18 =	sshrl.u32 s12, $0x3;
	s12 =	simm.s32 $0x181C0;
	[dreg:$0x15] =	wrdreg s11  }
0x13: {  	s23 =	simm.s32 $0x120;
	[dreg:$0x16] =	wrdreg s12  }
0x14: {  	s7 =	smul.u32 $0x18000, s7;
	s17 =	sadd.s32 $0xC00, s13;
	[smem:$0x7F8] =	sst s23  }
0x15: {  	s19 =	sadd.s32 $0x1800, s13;
	[dreg:$0x8] =	wrdreg s17  }
0x16: {  	s7 =	sshrl.u32 s7, $0x3;
	s29 =	sadd.s32 $0xC00, s26;
	[dreg:$0x9] =	wrdreg s19  }
0x17: {  	s5 =	sadd.s32 s5, s7;
	s7 =	sadd.s32 $0x2800, s3;
	[dreg:$0xf] =	wrdreg s29  }
0x18: {  	s13 =	simm.s32 $0x60;
	[dreg:$0x12] =	wrdreg s7  }
0x19: {  	s16 =	simm.s32 $0x18200;
	[dreg:$0x17] =	wrdreg s13  }
0x1a: {  	s8 =	sadd.s32 s8, s18;
	s18 =	simm.s32 $0x18220;
	[dreg:$0x1a] =	wrdreg s16  }
0x1b: {  	s26 =	simm.s32 $0x182C0;
	[dreg:$0x1c] =	wrdreg s18  }
0x1c: {  	s20 =	sadd.s32 $0x2400, s8;
	[smem:$0x7FB] =	sst s26  }
0x1d: {  	s30 =	simm.s32 $0x6180;
	s21 =	sadd.s32 $0x3000, s8;
	[dreg:$0xa] =	wrdreg s20  }
0x1e: {  	s28 =	simm.s32 $0x12180;
	s22 =	sadd.s32 $0x3C00, s8;
	[dreg:$0xb] =	wrdreg s21  }
0x1f: {  	s6 =	ssub.s32 $0x2, s6;
	s24 =	sadd.s32 $0x4800, s8;
	[dreg:$0xc] =	wrdreg s22  }
0x20: {  	s10 =	simm.s32 $0xA;
	s25 =	sadd.s32 $0x5400, s8;
	[dreg:$0xd] =	wrdreg s24  }
0x21: {  	s23 =	simm.s32 $0x7;
	s31 =	sadd.s32 $0x1800, s5;
	[dreg:$0xe] =	wrdreg s25  }
0x22: {  	s5 =	sadd.s32 $0x2400, s5;
	s8 =	sshrl.u32 s6, $0x1;
	[dreg:$0x10] =	wrdreg s31  }
0x23: {  	s7 =	sadd.s32 $0x100, s1;
	s17 =	simm.s32 $0xA0;
	[dreg:$0x11] =	wrdreg s5  }
0x24: {  	s19 =	simm.s32 $0xC0;
	s29 =	simm.s32 $0x160;
	[dreg:$0x1b] =	wrdreg s17  }
0x25: {  	s26 =	simm.s32 $0x20;
	s18 =	simm.s32 $0x2;
	[dreg:$0x1d] =	wrdreg s19  }
0x26: {  	s3 =	ssub.s32 s6, s8;
	s20 =	simm.s32 $0x18240;
	[smem:$0x7FC] =	sst s29  }
0x27: {  	s8 =	sadd.s32 $0x200, s1;
	s21 =	simm.s32 $0xE0;
	[dreg:$0x1e] =	wrdreg s20  }
0x28: {  	s22 =	simm.s32 $0x18260;
	s24 =	simm.s32 $0x182A0;
	[dreg:$0x1f] =	wrdreg s21  }
0x29: {  	s25 =	simm.s32 $0x140;
	s31 =	simm.s32 $0x182E0;
	[smem:$0x7F7] =	sst s22  }
0x2a: {  	s6 =	simm.s32 $0x1;
	s19 =	simm.s32 $0x5;
	[smem:$0x7F9] =	sst s24  }
0x2b: {  	v2 =	vlaneseq.u32;
	s5 =	simm.s32 $0xC180;
	s9 =	smax.u32 s3, $0x1;
	[smem:$0x7FA] =	sst s25  }
0x2c: {  	vm0 =	vmmov $0xffff;
	v1 =	vshrl.u32 v2, $0x3;
	[smem:$0x7FD] =	sst s31;
	s20 =	simm.s32 $0x3;
	s21 =	simm.s32 $0x6  }
0x2d: {  	v0 =	vand.u32 $0x7, v2;
	v2 =	vor.u32 $0x8, v2;
	v1 =	vmul.u32 $0x8, v1;
	s22 =	simm.s32 $0x4;
	s25 =	simm.s32 $0x8;
	s24 =	simm.s32 $0x180  }
.LBB2_1:
0x2e: {  	s31 =	rddreg [dreg:$0x6]  }
0x2f: {  	[tilespmem:s4], [sflag:$0xA] =	stream.linear.gather [hbm4b:s31+s4], $0x100, $0x38;
	[tilespmem:$0x18300] =	vst v63  }
0x30: {  	_ =	swait.ge [sflag:s10], $0x100  }
0x31: {  	[sflag:s10] =	ssyncset.done $0x0  }
0x32: {  	s0 =	simm.s32 $0x100;
	s17 =	rddreg [dreg:$0x7];
	[sflag:s10] =	ssyncadd.s32 $0xFFFFFF00  }
0x33: {  	[tilespmem:s0], [sflag:$0xA] =	stream.linear.gather [hbm4b:s17+s4], $0x80, $0x38;
	[tilespmem:$0x18300] =	vst v63  }
0x34: {  	_ =	swait.ge [sflag:s10], $0x80  }
0x35: {  	[sflag:s10] =	ssyncset.done $0x0  }
0x36: {  	[sflag:s10] =	ssyncadd.s32 $0xFFFFFF80  }
0x37: {  	v3 =	vld [tilespmem:$0x0];
	_ =	sdelay $0x4  }
0x38: {  	v4 =	vshrl.u32 v3, $0x3  }
0x39: {  	v4 =	vmul.u32 $0x30, v4  }
0x3a: {  	v3 =	vand.u32 $0x7, v3  }
0x3b: {  	v3 =	vor.u32 v3, v4  }
0x3c: {  	v4 =	vperm.xlane v3, v0;
	_ =	sdelay $0x1  }
0x3d: {  	v4 =	vadd.s32 v1, v4;
	_ =	sdelay $0x3  }
0x3e: {  	v3 =	vperm.xlane v3, v2  }
0x3f: {  	[tilespmem:s24], [sflag:$0x1] =	stream.indirect_vreg.gather [hbm4b:s1+s4], $0x80, v4, vm0, $0xb8;
	[tilespmem:$0x18300] =	vst v63  }
0x40: {  	s29 =	simm.s32 $0x980;
	v3 =	vadd.s32 v1, v3  }
0x41: {  	[tilespmem:s29], [sflag:$0x1] =	stream.indirect_vreg.gather [hbm4b:s7+s4], $0x80, v4, vm0, $0xb8;
	[tilespmem:$0x18300] =	vst v63  }
0x42: {  	s31 =	simm.s32 $0x1180  }
0x43: {  	[tilespmem:s31], [sflag:$0x1] =	stream.indirect_vreg.gather [hbm4b:s8+s4], $0x80, v4, vm0, $0xb8;
	[tilespmem:$0x18300] =	vst v63  }
0x44: {  	s3 =	simm.s32 $0x1980  }
0x45: {  	[tilespmem:s3], [sflag:$0x1] =	stream.indirect_vreg.gather [hbm4b:s1+s4], $0x80, v3, vm0, $0xb8;
	[tilespmem:$0x18300] =	vst v63  }
0x46: {  	s11 =	simm.s32 $0x2180  }
0x47: {  	[tilespmem:s11], [sflag:$0x1] =	stream.indirect_vreg.gather [hbm4b:s7+s4], $0x80, v3, vm0, $0xb8;
	[tilespmem:$0x18300] =	vst v63  }
0x48: {  	s13 =	simm.s32 $0x2980  }
0x49: {  	[tilespmem:s13], [sflag:$0x1] =	stream.indirect_vreg.gather [hbm4b:s8+s4], $0x80, v3, vm0, $0xb8;
	[tilespmem:$0x18300] =	vst v63  }
0x4a: {  	v3 =	vld [tilespmem:$0x10];
	_ =	sdelay $0x4  }
0x4b: {  	v41 =	vshrl.u32 v3, $0x3  }
0x4c: {  	v4 =	vmul.u32 $0x30, v41  }
0x4d: {  	v3 =	vand.u32 $0x7, v3  }
0x4e: {  	v3 =	vor.u32 v3, v4  }
0x4f: {  	v4 =	vperm.xlane v3, v0;
	_ =	sdelay $0x1  }
0x50: {  	v4 =	vadd.s32 v1, v4;
	_ =	sdelay $0x3  }
0x51: {  	s14 =	simm.s32 $0x3180;
	v3 =	vperm.xlane v3, v2  }
0x52: {  	[tilespmem:s14], [sflag:$0x1] =	stream.indirect_vreg.gather [hbm4b:s1+s4], $0x80, v4, vm0, $0xb8;
	[tilespmem:$0x18300] =	vst v63  }
0x53: {  	s17 =	simm.s32 $0x3980;
	v3 =	vadd.s32 v1, v3  }
0x54: {  	[tilespmem:s17], [sflag:$0x1] =	stream.indirect_vreg.gather [hbm4b:s7+s4], $0x80, v4, vm0, $0xb8;
	[tilespmem:$0x18300] =	vst v63  }
0x55: {  	s31 =	simm.s32 $0x4180  }
0x56: {  	[tilespmem:s31], [sflag:$0x1] =	stream.indirect_vreg.gather [hbm4b:s8+s4], $0x80, v4, vm0, $0xb8;
	[tilespmem:$0x18300] =	vst v63  }
0x57: {  	s13 =	simm.s32 $0x4980  }
0x58: {  	[tilespmem:s13], [sflag:$0x1] =	stream.indirect_vreg.gather [hbm4b:s1+s4], $0x80, v3, vm0, $0xb8;
	[tilespmem:$0x18300] =	vst v63  }
0x59: {  	s14 =	simm.s32 $0x5180  }
0x5a: {  	[tilespmem:s14], [sflag:$0x1] =	stream.indirect_vreg.gather [hbm4b:s7+s4], $0x80, v3, vm0, $0xb8;
	[tilespmem:$0x18300] =	vst v63  }
0x5b: {  	s31 =	simm.s32 $0x5980  }
0x5c: {  	[tilespmem:s31], [sflag:$0x1] =	stream.indirect_vreg.gather [hbm4b:s8+s4], $0x80, v3, vm0, $0xb8;
	[tilespmem:$0x18300] =	vst v63  }
0x5d: {  	v3 =	vld [tilespmem:$0x20];
	_ =	sdelay $0x4  }
0x5e: {  	v42 =	vshrl.u32 v3, $0x3  }
0x5f: {  	v4 =	vmul.u32 $0x30, v42  }
0x60: {  	v3 =	vand.u32 $0x7, v3  }
0x61: {  	v3 =	vor.u32 v3, v4  }
0x62: {  	v4 =	vperm.xlane v3, v0;
	_ =	sdelay $0x1  }
0x63: {  	v4 =	vadd.s32 v1, v4;
	_ =	sdelay $0x3  }
0x64: {  	v3 =	vperm.xlane v3, v2  }
0x65: {  	[tilespmem:s30], [sflag:$0x2] =	stream.indirect_vreg.gather [hbm4b:s1+s4], $0x80, v4, vm0, $0xb8;
	[tilespmem:$0x18300] =	vst v63  }
0x66: {  	s31 =	simm.s32 $0x6980;
	v3 =	vadd.s32 v1, v3  }
0x67: {  	[tilespmem:s31], [sflag:$0x2] =	stream.indirect_vreg.gather [hbm4b:s7+s4], $0x80, v4, vm0, $0xb8;
	[tilespmem:$0x18300] =	vst v63  }
0x68: {  	s31 =	simm.s32 $0x7180  }
0x69: {  	[tilespmem:s31], [sflag:$0x2] =	stream.indirect_vreg.gather [hbm4b:s8+s4], $0x80, v4, vm0, $0xb8;
	[tilespmem:$0x18300] =	vst v63  }
0x6a: {  	s31 =	simm.s32 $0x7980  }
0x6b: {  	[tilespmem:s31], [sflag:$0x2] =	stream.indirect_vreg.gather [hbm4b:s1+s4], $0x80, v3, vm0, $0xb8;
	[tilespmem:$0x18300] =	vst v63  }
0x6c: {  	s31 =	simm.s32 $0x8180  }
0x6d: {  	[tilespmem:s31], [sflag:$0x2] =	stream.indirect_vreg.gather [hbm4b:s7+s4], $0x80, v3, vm0, $0xb8;
	[tilespmem:$0x18300] =	vst v63  }
0x6e: {  	s31 =	simm.s32 $0x8980  }
0x6f: {  	[tilespmem:s31], [sflag:$0x2] =	stream.indirect_vreg.gather [hbm4b:s8+s4], $0x80, v3, vm0, $0xb8;
	[tilespmem:$0x18300] =	vst v63  }
0x70: {  	v3 =	vld [tilespmem:$0x30];
	_ =	sdelay $0x4  }
0x71: {  	v43 =	vshrl.u32 v3, $0x3  }
0x72: {  	v4 =	vmul.u32 $0x30, v43  }
0x73: {  	v3 =	vand.u32 $0x7, v3  }
0x74: {  	v3 =	vor.u32 v3, v4  }
0x75: {  	v4 =	vperm.xlane v3, v0;
	_ =	sdelay $0x1  }
0x76: {  	v4 =	vadd.s32 v1, v4;
	_ =	sdelay $0x3  }
0x77: {  	s31 =	simm.s32 $0x9180;
	v3 =	vperm.xlane v3, v2  }
0x78: {  	[tilespmem:s31], [sflag:$0x2] =	stream.indirect_vreg.gather [hbm4b:s1+s4], $0x80, v4, vm0, $0xb8;
	[tilespmem:$0x18300] =	vst v63  }
0x79: {  	v3 =	vadd.s32 v1, v3;
	s31 =	simm.s32 $0x9980  }
0x7a: {  	[tilespmem:s31], [sflag:$0x2] =	stream.indirect_vreg.gather [hbm4b:s7+s4], $0x80, v4, vm0, $0xb8;
	[tilespmem:$0x18300] =	vst v63  }
0x7b: {  	s31 =	simm.s32 $0xA180  }
0x7c: {  	[tilespmem:s31], [sflag:$0x2] =	stream.indirect_vreg.gather [hbm4b:s8+s4], $0x80, v4, vm0, $0xb8;
	[tilespmem:$0x18300] =	vst v63  }
0x7d: {  	s31 =	simm.s32 $0xA980  }
0x7e: {  	[tilespmem:s31], [sflag:$0x2] =	stream.indirect_vreg.gather [hbm4b:s1+s4], $0x80, v3, vm0, $0xb8;
	[tilespmem:$0x18300] =	vst v63  }
0x7f: {  	s31 =	simm.s32 $0xB180  }
0x80: {  	[tilespmem:s31], [sflag:$0x2] =	stream.indirect_vreg.gather [hbm4b:s7+s4], $0x80, v3, vm0, $0xb8;
	[tilespmem:$0x18300] =	vst v63  }
0x81: {  	s31 =	simm.s32 $0xB980  }
0x82: {  	[tilespmem:s31], [sflag:$0x2] =	stream.indirect_vreg.gather [hbm4b:s8+s4], $0x80, v3, vm0, $0xb8;
	[tilespmem:$0x18300] =	vst v63  }
0x83: {  	v3 =	vld [tilespmem:$0x40];
	_ =	sdelay $0x4  }
0x84: {  	v44 =	vshrl.u32 v3, $0x3  }
0x85: {  	v4 =	vmul.u32 $0x30, v44  }
0x86: {  	v3 =	vand.u32 $0x7, v3  }
0x87: {  	v3 =	vor.u32 v3, v4  }
0x88: {  	v4 =	vperm.xlane v3, v0;
	_ =	sdelay $0x1  }
0x89: {  	v4 =	vadd.s32 v1, v4;
	_ =	sdelay $0x3  }
0x8a: {  	v3 =	vperm.xlane v3, v2  }
0x8b: {  	[tilespmem:s5], [sflag:$0x3] =	stream.indirect_vreg.gather [hbm4b:s1+s4], $0x80, v4, vm0, $0xb8;
	[tilespmem:$0x18300] =	vst v63  }
0x8c: {  	s31 =	simm.s32 $0xC980;
	v3 =	vadd.s32 v1, v3  }
0x8d: {  	[tilespmem:s31], [sflag:$0x3] =	stream.indirect_vreg.gather [hbm4b:s7+s4], $0x80, v4, vm0, $0xb8;
	[tilespmem:$0x18300] =	vst v63  }
0x8e: {  	s31 =	simm.s32 $0xD180  }
0x8f: {  	[tilespmem:s31], [sflag:$0x3] =	stream.indirect_vreg.gather [hbm4b:s8+s4], $0x80, v4, vm0, $0xb8;
	[tilespmem:$0x18300] =	vst v63  }
0x90: {  	s31 =	simm.s32 $0xD980  }
0x91: {  	[tilespmem:s31], [sflag:$0x3] =	stream.indirect_vreg.gather [hbm4b:s1+s4], $0x80, v3, vm0, $0xb8;
	[tilespmem:$0x18300] =	vst v63  }
0x92: {  	s31 =	simm.s32 $0xE180  }
0x93: {  	[tilespmem:s31], [sflag:$0x3] =	stream.indirect_vreg.gather [hbm4b:s7+s4], $0x80, v3, vm0, $0xb8;
	[tilespmem:$0x18300] =	vst v63  }
0x94: {  	s31 =	simm.s32 $0xE980  }
0x95: {  	[tilespmem:s31], [sflag:$0x3] =	stream.indirect_vreg.gather [hbm4b:s8+s4], $0x80, v3, vm0, $0xb8;
	[tilespmem:$0x18300] =	vst v63  }
0x96: {  	v3 =	vld [tilespmem:$0x50];
	_ =	sdelay $0x4  }
0x97: {  	v45 =	vshrl.u32 v3, $0x3  }
0x98: {  	v4 =	vmul.u32 $0x30, v45  }
0x99: {  	v3 =	vand.u32 $0x7, v3  }
0x9a: {  	v3 =	vor.u32 v3, v4  }
0x9b: {  	v4 =	vperm.xlane v3, v0;
	_ =	sdelay $0x1  }
0x9c: {  	v4 =	vadd.s32 v1, v4;
	_ =	sdelay $0x3  }
0x9d: {  	s31 =	simm.s32 $0xF180;
	v3 =	vperm.xlane v3, v2  }
0x9e: {  	[tilespmem:s31], [sflag:$0x3] =	stream.indirect_vreg.gather [hbm4b:s1+s4], $0x80, v4, vm0, $0xb8;
	[tilespmem:$0x18300] =	vst v63  }
0x9f: {  	v3 =	vadd.s32 v1, v3;
	s31 =	simm.s32 $0xF980  }
0xa0: {  	[tilespmem:s31], [sflag:$0x3] =	stream.indirect_vreg.gather [hbm4b:s7+s4], $0x80, v4, vm0, $0xb8;
	[tilespmem:$0x18300] =	vst v63  }
0xa1: {  	s31 =	simm.s32 $0x10180  }
0xa2: {  	[tilespmem:s31], [sflag:$0x3] =	stream.indirect_vreg.gather [hbm4b:s8+s4], $0x80, v4, vm0, $0xb8;
	[tilespmem:$0x18300] =	vst v63  }
0xa3: {  	s31 =	simm.s32 $0x10980  }
0xa4: {  	[tilespmem:s31], [sflag:$0x3] =	stream.indirect_vreg.gather [hbm4b:s1+s4], $0x80, v3, vm0, $0xb8;
	[tilespmem:$0x18300] =	vst v63  }
0xa5: {  	s31 =	simm.s32 $0x11180  }
0xa6: {  	[tilespmem:s31], [sflag:$0x3] =	stream.indirect_vreg.gather [hbm4b:s7+s4], $0x80, v3, vm0, $0xb8;
	[tilespmem:$0x18300] =	vst v63  }
0xa7: {  	s31 =	simm.s32 $0x11980  }
0xa8: {  	[tilespmem:s31], [sflag:$0x3] =	stream.indirect_vreg.gather [hbm4b:s8+s4], $0x80, v3, vm0, $0xb8;
	[tilespmem:$0x18300] =	vst v63  }
0xa9: {  	s31 =	simm.s32 $0x18180  }
0xaa: {  	[tilespmem:s31], [sflag:$0x9] =	stream.indirect.gather [hbm4b:s2+s26], $0x1, s4, s26, $0xb8;
	[tilespmem:$0x18300] =	vst v63  }
0xab: {  	_ =	swait.ge [sflag:s6], $0x6000  }
0xac: {  	s31 =	sld [smem:$0x7F5]  }
0xad: {  	[sflag:s6] =	ssyncset.done $0x0  }
0xae: {  	[sflag:s6] =	ssyncadd.s32 $0xFFFFA000  }
0xaf: {  	[hbm4b:s31+s4] =	stream.linear.scatter [tilespmem:s24], [sflag:$0x5], $0x6000, $0x38;
	[tilespmem:$0x18300] =	vst v63  }
0xb0: {  	v3 =	vld [tilespmem:$0x60];
	_ =	sdelay $0x4  }
0xb1: {  	v46 =	vshrl.u32 v3, $0x3  }
0xb2: {  	v4 =	vmul.u32 $0x30, v46  }
0xb3: {  	v3 =	vand.u32 $0x7, v3  }
0xb4: {  	v3 =	vor.u32 v3, v4  }
0xb5: {  	v4 =	vperm.xlane v3, v0;
	_ =	sdelay $0x1  }
0xb6: {  	v4 =	vadd.s32 v1, v4;
	_ =	sdelay $0x3  }
0xb7: {  	v3 =	vperm.xlane v3, v2  }
0xb8: {  	[tilespmem:s28], [sflag:$0x4] =	stream.indirect_vreg.gather [hbm4b:s1+s4], $0x80, v4, vm0, $0xb8;
	[tilespmem:$0x18300] =	vst v63  }
0xb9: {  	s31 =	simm.s32 $0x12980;
	v3 =	vadd.s32 v1, v3  }
0xba: {  	[tilespmem:s31], [sflag:$0x4] =	stream.indirect_vreg.gather [hbm4b:s7+s4], $0x80, v4, vm0, $0xb8;
	[tilespmem:$0x18300] =	vst v63  }
0xbb: {  	s31 =	simm.s32 $0x13180  }
0xbc: {  	[tilespmem:s31], [sflag:$0x4] =	stream.indirect_vreg.gather [hbm4b:s8+s4], $0x80, v4, vm0, $0xb8;
	[tilespmem:$0x18300] =	vst v63  }
0xbd: {  	s31 =	simm.s32 $0x13980  }
0xbe: {  	[tilespmem:s31], [sflag:$0x4] =	stream.indirect_vreg.gather [hbm4b:s1+s4], $0x80, v3, vm0, $0xb8;
	[tilespmem:$0x18300] =	vst v63  }
0xbf: {  	s31 =	simm.s32 $0x14180  }
0xc0: {  	[tilespmem:s31], [sflag:$0x4] =	stream.indirect_vreg.gather [hbm4b:s7+s4], $0x80, v3, vm0, $0xb8;
	[tilespmem:$0x18300] =	vst v63  }
0xc1: {  	s31 =	simm.s32 $0x14980  }
0xc2: {  	[tilespmem:s31], [sflag:$0x4] =	stream.indirect_vreg.gather [hbm4b:s8+s4], $0x80, v3, vm0, $0xb8;
	[tilespmem:$0x18300] =	vst v63  }
0xc3: {  	v3 =	vld [tilespmem:$0x70];
	_ =	sdelay $0x4  }
0xc4: {  	v47 =	vshrl.u32 v3, $0x3  }
0xc5: {  	v4 =	vmul.u32 $0x30, v47  }
0xc6: {  	v3 =	vand.u32 $0x7, v3  }
0xc7: {  	v3 =	vor.u32 v3, v4  }
0xc8: {  	v4 =	vperm.xlane v3, v0;
	_ =	sdelay $0x1  }
0xc9: {  	v4 =	vadd.s32 v1, v4;
	_ =	sdelay $0x3  }
0xca: {  	s31 =	simm.s32 $0x15180;
	v3 =	vperm.xlane v3, v2  }
0xcb: {  	[tilespmem:s31], [sflag:$0x4] =	stream.indirect_vreg.gather [hbm4b:s1+s4], $0x80, v4, vm0, $0xb8;
	[tilespmem:$0x18300] =	vst v63  }
0xcc: {  	v3 =	vadd.s32 v1, v3;
	s31 =	simm.s32 $0x15980  }
0xcd: {  	[tilespmem:s31], [sflag:$0x4] =	stream.indirect_vreg.gather [hbm4b:s7+s4], $0x80, v4, vm0, $0xb8;
	[tilespmem:$0x18300] =	vst v63  }
0xce: {  	s31 =	simm.s32 $0x16180  }
0xcf: {  	[tilespmem:s31], [sflag:$0x4] =	stream.indirect_vreg.gather [hbm4b:s8+s4], $0x80, v4, vm0, $0xb8;
	[tilespmem:$0x18300] =	vst v63  }
0xd0: {  	s31 =	simm.s32 $0x16980  }
0xd1: {  	[tilespmem:s31], [sflag:$0x4] =	stream.indirect_vreg.gather [hbm4b:s1+s4], $0x80, v3, vm0, $0xb8;
	[tilespmem:$0x18300] =	vst v63  }
0xd2: {  	s31 =	simm.s32 $0x17180  }
0xd3: {  	[tilespmem:s31], [sflag:$0x4] =	stream.indirect_vreg.gather [hbm4b:s7+s4], $0x80, v3, vm0, $0xb8;
	[tilespmem:$0x18300] =	vst v63  }
0xd4: {  	s0 =	simm.s32 $0x17980  }
0xd5: {  	[tilespmem:s0], [sflag:$0x4] =	stream.indirect_vreg.gather [hbm4b:s8+s4], $0x80, v3, vm0, $0xb8;
	[tilespmem:$0x18300] =	vst v63  }
0xd6: {  	s31 =	rddreg [dreg:$0x14]  }
0xd7: {  	[tilespmem:s31], [sflag:$0x9] =	stream.indirect.gather [hbm4b:s2+s26], $0x1, s26, s26, $0xb8;
	[tilespmem:$0x18300] =	vst v63  }
0xd8: {  	_ =	swait.ge [sflag:s18], $0x6000  }
0xd9: {  	[sflag:s18] =	ssyncset.done $0x0  }
0xda: {  	s0 =	rddreg [dreg:$0x8];
	[sflag:s18] =	ssyncadd.s32 $0xFFFFA000  }
0xdb: {  	[hbm4b:s0+s4] =	stream.linear.scatter [tilespmem:s30], [sflag:$0x6], $0x6000, $0x38;
	[tilespmem:$0x18300] =	vst v63  }
0xdc: {  	_ =	swait.ge [sflag:s19], $0x6000  }
0xdd: {  	[sflag:s19] =	ssyncset.done $0x0  }
0xde: {  	[sflag:s19] =	ssyncadd.s32 $0xFFFFA000  }
0xdf: {  	v3 =	vld [tilespmem:$0x80];
	_ =	sdelay $0x4  }
0xe0: {  	v48 =	vshrl.u32 v3, $0x3  }
0xe1: {  	v4 =	vmul.u32 $0x30, v48  }
0xe2: {  	v3 =	vand.u32 $0x7, v3  }
0xe3: {  	v3 =	vor.u32 v3, v4  }
0xe4: {  	v4 =	vperm.xlane v3, v0;
	_ =	sdelay $0x1  }
0xe5: {  	v4 =	vadd.s32 v1, v4;
	_ =	sdelay $0x3  }
0xe6: {  	v3 =	vperm.xlane v3, v2  }
0xe7: {  	[tilespmem:s24], [sflag:$0x1] =	stream.indirect_vreg.gather [hbm4b:s1+s4], $0x80, v4, vm0, $0xb8;
	[tilespmem:$0x18300] =	vst v63  }
0xe8: {  	s16 =	simm.s32 $0x980;
	v3 =	vadd.s32 v1, v3  }
0xe9: {  	[tilespmem:s16], [sflag:$0x1] =	stream.indirect_vreg.gather [hbm4b:s7+s4], $0x80, v4, vm0, $0xb8;
	[tilespmem:$0x18300] =	vst v63  }
0xea: {  	s29 =	simm.s32 $0x1180  }
0xeb: {  	[tilespmem:s29], [sflag:$0x1] =	stream.indirect_vreg.gather [hbm4b:s8+s4], $0x80, v4, vm0, $0xb8;
	[tilespmem:$0x18300] =	vst v63  }
0xec: {  	s12 =	simm.s32 $0x1980  }
0xed: {  	[tilespmem:s12], [sflag:$0x1] =	stream.indirect_vreg.gather [hbm4b:s1+s4], $0x80, v3, vm0, $0xb8;
	[tilespmem:$0x18300] =	vst v63  }
0xee: {  	s15 =	simm.s32 $0x2180  }
0xef: {  	[tilespmem:s15], [sflag:$0x1] =	stream.indirect_vreg.gather [hbm4b:s7+s4], $0x80, v3, vm0, $0xb8;
	[tilespmem:$0x18300] =	vst v63  }
0xf0: {  	s3 =	simm.s32 $0x2980  }
0xf1: {  	[tilespmem:s3], [sflag:$0x1] =	stream.indirect_vreg.gather [hbm4b:s8+s4], $0x80, v3, vm0, $0xb8;
	[tilespmem:$0x18300] =	vst v63  }
0xf2: {  	v3 =	vld [tilespmem:$0x90];
	_ =	sdelay $0x4  }
0xf3: {  	v49 =	vshrl.u32 v3, $0x3  }
0xf4: {  	v4 =	vmul.u32 $0x30, v49  }
0xf5: {  	v3 =	vand.u32 $0x7, v3  }
0xf6: {  	v3 =	vor.u32 v3, v4  }
0xf7: {  	v4 =	vperm.xlane v3, v0;
	_ =	sdelay $0x1  }
0xf8: {  	v4 =	vadd.s32 v1, v4;
	_ =	sdelay $0x3  }
0xf9: {  	s11 =	simm.s32 $0x3180;
	v3 =	vperm.xlane v3, v2  }
0xfa: {  	[tilespmem:s11], [sflag:$0x1] =	stream.indirect_vreg.gather [hbm4b:s1+s4], $0x80, v4, vm0, $0xb8;
	[tilespmem:$0x18300] =	vst v63  }
0xfb: {  	s17 =	simm.s32 $0x3980;
	v3 =	vadd.s32 v1, v3  }
0xfc: {  	[tilespmem:s17], [sflag:$0x1] =	stream.indirect_vreg.gather [hbm4b:s7+s4], $0x80, v4, vm0, $0xb8;
	[tilespmem:$0x18300] =	vst v63  }
0xfd: {  	s12 =	simm.s32 $0x4180  }
0xfe: {  	[tilespmem:s12], [sflag:$0x1] =	stream.indirect_vreg.gather [hbm4b:s8+s4], $0x80, v4, vm0, $0xb8;
	[tilespmem:$0x18300] =	vst v63  }
0xff: {  	s13 =	simm.s32 $0x4980  }
0x100: {  	[tilespmem:s13], [sflag:$0x1] =	stream.indirect_vreg.gather [hbm4b:s1+s4], $0x80, v3, vm0, $0xb8;
	[tilespmem:$0x18300] =	vst v63  }
0x101: {  	s14 =	simm.s32 $0x5180  }
0x102: {  	[tilespmem:s14], [sflag:$0x1] =	stream.indirect_vreg.gather [hbm4b:s7+s4], $0x80, v3, vm0, $0xb8;
	[tilespmem:$0x18300] =	vst v63  }
0x103: {  	s17 =	simm.s32 $0x5980;
	s13 =	rddreg [dreg:$0x15]  }
0x104: {  	[tilespmem:s17], [sflag:$0x1] =	stream.indirect_vreg.gather [hbm4b:s8+s4], $0x80, v3, vm0, $0xb8;
	[tilespmem:$0x18300] =	vst v63  }
0x105: {  	s14 =	rddreg [dreg:$0x16]  }
0x106: {  	[tilespmem:s14], [sflag:$0x9] =	stream.indirect.gather [hbm4b:s2+s26], $0x1, s13, s26, $0xb8;
	[tilespmem:$0x18300] =	vst v63  }
0x107: {  	_ =	swait.ge [sflag:s20], $0x6000  }
0x108: {  	[sflag:s20] =	ssyncset.done $0x0  }
0x109: {  	s3 =	rddreg [dreg:$0x9];
	[sflag:s20] =	ssyncadd.s32 $0xFFFFA000  }
0x10a: {  	[hbm4b:s3+s4] =	stream.linear.scatter [tilespmem:s5], [sflag:$0x7], $0x6000, $0x38;
	[tilespmem:$0x18300] =	vst v63  }
0x10b: {  	_ =	swait.ge [sflag:s21], $0x6000  }
0x10c: {  	[sflag:s21] =	ssyncset.done $0x0  }
0x10d: {  	[sflag:s21] =	ssyncadd.s32 $0xFFFFA000  }
0x10e: {  	v3 =	vld [tilespmem:$0xA0];
	_ =	sdelay $0x4  }
0x10f: {  	v50 =	vshrl.u32 v3, $0x3  }
0x110: {  	v4 =	vmul.u32 $0x30, v50  }
0x111: {  	v3 =	vand.u32 $0x7, v3  }
0x112: {  	v3 =	vor.u32 v3, v4  }
0x113: {  	v4 =	vperm.xlane v3, v0;
	_ =	sdelay $0x1  }
0x114: {  	v4 =	vadd.s32 v1, v4;
	_ =	sdelay $0x3  }
0x115: {  	v3 =	vperm.xlane v3, v2  }
0x116: {  	[tilespmem:s30], [sflag:$0x2] =	stream.indirect_vreg.gather [hbm4b:s1+s4], $0x80, v4, vm0, $0xb8;
	[tilespmem:$0x18300] =	vst v63  }
0x117: {  	s13 =	simm.s32 $0x6980;
	v3 =	vadd.s32 v1, v3  }
0x118: {  	[tilespmem:s13], [sflag:$0x2] =	stream.indirect_vreg.gather [hbm4b:s7+s4], $0x80, v4, vm0, $0xb8;
	[tilespmem:$0x18300] =	vst v63  }
0x119: {  	s14 =	simm.s32 $0x7180  }
0x11a: {  	[tilespmem:s14], [sflag:$0x2] =	stream.indirect_vreg.gather [hbm4b:s8+s4], $0x80, v4, vm0, $0xb8;
	[tilespmem:$0x18300] =	vst v63  }
0x11b: {  	s17 =	simm.s32 $0x7980  }
0x11c: {  	[tilespmem:s17], [sflag:$0x2] =	stream.indirect_vreg.gather [hbm4b:s1+s4], $0x80, v3, vm0, $0xb8;
	[tilespmem:$0x18300] =	vst v63  }
0x11d: {  	s31 =	simm.s32 $0x8180  }
0x11e: {  	[tilespmem:s31], [sflag:$0x2] =	stream.indirect_vreg.gather [hbm4b:s7+s4], $0x80, v3, vm0, $0xb8;
	[tilespmem:$0x18300] =	vst v63  }
0x11f: {  	s3 =	simm.s32 $0x8980  }
0x120: {  	[tilespmem:s3], [sflag:$0x2] =	stream.indirect_vreg.gather [hbm4b:s8+s4], $0x80, v3, vm0, $0xb8;
	[tilespmem:$0x18300] =	vst v63  }
0x121: {  	v3 =	vld [tilespmem:$0xB0];
	_ =	sdelay $0x4  }
0x122: {  	v51 =	vshrl.u32 v3, $0x3  }
0x123: {  	v4 =	vmul.u32 $0x30, v51  }
0x124: {  	v3 =	vand.u32 $0x7, v3  }
0x125: {  	v3 =	vor.u32 v3, v4  }
0x126: {  	v4 =	vperm.xlane v3, v0;
	_ =	sdelay $0x1  }
0x127: {  	v4 =	vadd.s32 v1, v4;
	_ =	sdelay $0x3  }
0x128: {  	s13 =	simm.s32 $0x9180;
	v3 =	vperm.xlane v3, v2  }
0x129: {  	[tilespmem:s13], [sflag:$0x2] =	stream.indirect_vreg.gather [hbm4b:s1+s4], $0x80, v4, vm0, $0xb8;
	[tilespmem:$0x18300] =	vst v63  }
0x12a: {  	s14 =	simm.s32 $0x9980;
	v3 =	vadd.s32 v1, v3  }
0x12b: {  	[tilespmem:s14], [sflag:$0x2] =	stream.indirect_vreg.gather [hbm4b:s7+s4], $0x80, v4, vm0, $0xb8;
	[tilespmem:$0x18300] =	vst v63  }
0x12c: {  	s17 =	simm.s32 $0xA180  }
0x12d: {  	[tilespmem:s17], [sflag:$0x2] =	stream.indirect_vreg.gather [hbm4b:s8+s4], $0x80, v4, vm0, $0xb8;
	[tilespmem:$0x18300] =	vst v63  }
0x12e: {  	s31 =	simm.s32 $0xA980  }
0x12f: {  	[tilespmem:s31], [sflag:$0x2] =	stream.indirect_vreg.gather [hbm4b:s1+s4], $0x80, v3, vm0, $0xb8;
	[tilespmem:$0x18300] =	vst v63  }
0x130: {  	s3 =	simm.s32 $0xB180  }
0x131: {  	[tilespmem:s3], [sflag:$0x2] =	stream.indirect_vreg.gather [hbm4b:s7+s4], $0x80, v3, vm0, $0xb8;
	[tilespmem:$0x18300] =	vst v63  }
0x132: {  	s13 =	rddreg [dreg:$0x17];
	s17 =	simm.s32 $0xB980  }
0x133: {  	[tilespmem:s17], [sflag:$0x2] =	stream.indirect_vreg.gather [hbm4b:s8+s4], $0x80, v3, vm0, $0xb8;
	[tilespmem:$0x18300] =	vst v63  }
0x134: {  	s14 =	rddreg [dreg:$0x18]  }
0x135: {  	[tilespmem:s14], [sflag:$0x9] =	stream.indirect.gather [hbm4b:s2+s26], $0x1, s13, s26, $0xb8;
	[tilespmem:$0x18300] =	vst v63  }
0x136: {  	_ =	swait.ge [sflag:s22], $0x6000  }
0x137: {  	[sflag:s22] =	ssyncset.done $0x0  }
0x138: {  	s3 =	rddreg [dreg:$0xa];
	[sflag:s22] =	ssyncadd.s32 $0xFFFFA000  }
0x139: {  	[hbm4b:s3+s4] =	stream.linear.scatter [tilespmem:s28], [sflag:$0x8], $0x6000, $0x38;
	[tilespmem:$0x18300] =	vst v63  }
0x13a: {  	_ =	swait.ge [sflag:s23], $0x6000  }
0x13b: {  	[sflag:s23] =	ssyncset.done $0x0  }
0x13c: {  	[sflag:s23] =	ssyncadd.s32 $0xFFFFA000  }
0x13d: {  	v3 =	vld [tilespmem:$0xC0];
	_ =	sdelay $0x4  }
0x13e: {  	v52 =	vshrl.u32 v3, $0x3  }
0x13f: {  	v4 =	vmul.u32 $0x30, v52  }
0x140: {  	v3 =	vand.u32 $0x7, v3  }
0x141: {  	v3 =	vor.u32 v3, v4  }
0x142: {  	v4 =	vperm.xlane v3, v0;
	_ =	sdelay $0x1  }
0x143: {  	v4 =	vadd.s32 v1, v4;
	_ =	sdelay $0x3  }
0x144: {  	v3 =	vperm.xlane v3, v2  }
0x145: {  	[tilespmem:s5], [sflag:$0x3] =	stream.indirect_vreg.gather [hbm4b:s1+s4], $0x80, v4, vm0, $0xb8;
	[tilespmem:$0x18300] =	vst v63  }
0x146: {  	s13 =	simm.s32 $0xC980;
	v3 =	vadd.s32 v1, v3  }
0x147: {  	[tilespmem:s13], [sflag:$0x3] =	stream.indirect_vreg.gather [hbm4b:s7+s4], $0x80, v4, vm0, $0xb8;
	[tilespmem:$0x18300] =	vst v63  }
0x148: {  	s14 =	simm.s32 $0xD180  }
0x149: {  	[tilespmem:s14], [sflag:$0x3] =	stream.indirect_vreg.gather [hbm4b:s8+s4], $0x80, v4, vm0, $0xb8;
	[tilespmem:$0x18300] =	vst v63  }
0x14a: {  	s17 =	simm.s32 $0xD980  }
0x14b: {  	[tilespmem:s17], [sflag:$0x3] =	stream.indirect_vreg.gather [hbm4b:s1+s4], $0x80, v3, vm0, $0xb8;
	[tilespmem:$0x18300] =	vst v63  }
0x14c: {  	s31 =	simm.s32 $0xE180  }
0x14d: {  	[tilespmem:s31], [sflag:$0x3] =	stream.indirect_vreg.gather [hbm4b:s7+s4], $0x80, v3, vm0, $0xb8;
	[tilespmem:$0x18300] =	vst v63  }
0x14e: {  	s3 =	simm.s32 $0xE980  }
0x14f: {  	[tilespmem:s3], [sflag:$0x3] =	stream.indirect_vreg.gather [hbm4b:s8+s4], $0x80, v3, vm0, $0xb8;
	[tilespmem:$0x18300] =	vst v63  }
0x150: {  	v3 =	vld [tilespmem:$0xD0];
	_ =	sdelay $0x4  }
0x151: {  	v53 =	vshrl.u32 v3, $0x3  }
0x152: {  	v4 =	vmul.u32 $0x30, v53  }
0x153: {  	v3 =	vand.u32 $0x7, v3  }
0x154: {  	v3 =	vor.u32 v3, v4  }
0x155: {  	v4 =	vperm.xlane v3, v0;
	_ =	sdelay $0x1  }
0x156: {  	v4 =	vadd.s32 v1, v4;
	_ =	sdelay $0x3  }
0x157: {  	s31 =	simm.s32 $0xF180;
	v3 =	vperm.xlane v3, v2  }
0x158: {  	[tilespmem:s31], [sflag:$0x3] =	stream.indirect_vreg.gather [hbm4b:s1+s4], $0x80, v4, vm0, $0xb8;
	[tilespmem:$0x18300] =	vst v63  }
0x159: {  	s3 =	simm.s32 $0xF980;
	v3 =	vadd.s32 v1, v3  }
0x15a: {  	[tilespmem:s3], [sflag:$0x3] =	stream.indirect_vreg.gather [hbm4b:s7+s4], $0x80, v4, vm0, $0xb8;
	[tilespmem:$0x18300] =	vst v63  }
0x15b: {  	s31 =	simm.s32 $0x10180  }
0x15c: {  	[tilespmem:s31], [sflag:$0x3] =	stream.indirect_vreg.gather [hbm4b:s8+s4], $0x80, v4, vm0, $0xb8;
	[tilespmem:$0x18300] =	vst v63  }
0x15d: {  	s3 =	simm.s32 $0x10980  }
0x15e: {  	[tilespmem:s3], [sflag:$0x3] =	stream.indirect_vreg.gather [hbm4b:s1+s4], $0x80, v3, vm0, $0xb8;
	[tilespmem:$0x18300] =	vst v63  }
0x15f: {  	s31 =	simm.s32 $0x11180  }
0x160: {  	[tilespmem:s31], [sflag:$0x3] =	stream.indirect_vreg.gather [hbm4b:s7+s4], $0x80, v3, vm0, $0xb8;
	[tilespmem:$0x18300] =	vst v63  }
0x161: {  	s0 =	rddreg [dreg:$0x19];
	s3 =	simm.s32 $0x11980  }
0x162: {  	[tilespmem:s3], [sflag:$0x3] =	stream.indirect_vreg.gather [hbm4b:s8+s4], $0x80, v3, vm0, $0xb8;
	[tilespmem:$0x18300] =	vst v63  }
0x163: {  	s31 =	rddreg [dreg:$0x1a]  }
0x164: {  	[tilespmem:s31], [sflag:$0x9] =	stream.indirect.gather [hbm4b:s2+s26], $0x1, s0, s26, $0xb8;
	[tilespmem:$0x18300] =	vst v63  }
0x165: {  	_ =	swait.ge [sflag:s6], $0x6000  }
0x166: {  	[sflag:s6] =	ssyncset.done $0x0  }
0x167: {  	s3 =	rddreg [dreg:$0xb];
	[sflag:s6] =	ssyncadd.s32 $0xFFFFA000  }
0x168: {  	[hbm4b:s3+s4] =	stream.linear.scatter [tilespmem:s24], [sflag:$0x5], $0x6000, $0x38;
	[tilespmem:$0x18300] =	vst v63  }
0x169: {  	_ =	swait.ge [sflag:s25], $0x6000  }
0x16a: {  	[sflag:s25] =	ssyncset.done $0x0  }
0x16b: {  	[sflag:s25] =	ssyncadd.s32 $0xFFFFA000  }
0x16c: {  	v3 =	vld [tilespmem:$0xE0];
	_ =	sdelay $0x4  }
0x16d: {  	v54 =	vshrl.u32 v3, $0x3  }
0x16e: {  	v4 =	vmul.u32 $0x30, v54  }
0x16f: {  	v3 =	vand.u32 $0x7, v3  }
0x170: {  	v3 =	vor.u32 v3, v4  }
0x171: {  	v4 =	vperm.xlane v3, v0;
	_ =	sdelay $0x1  }
0x172: {  	v4 =	vadd.s32 v1, v4;
	_ =	sdelay $0x3  }
0x173: {  	v3 =	vperm.xlane v3, v2  }
0x174: {  	[tilespmem:s28], [sflag:$0x4] =	stream.indirect_vreg.gather [hbm4b:s1+s4], $0x80, v4, vm0, $0xb8;
	[tilespmem:$0x18300] =	vst v63  }
0x175: {  	s31 =	simm.s32 $0x12980;
	v3 =	vadd.s32 v1, v3  }
0x176: {  	[tilespmem:s31], [sflag:$0x4] =	stream.indirect_vreg.gather [hbm4b:s7+s4], $0x80, v4, vm0, $0xb8;
	[tilespmem:$0x18300] =	vst v63  }
0x177: {  	s3 =	simm.s32 $0x13180  }
0x178: {  	[tilespmem:s3], [sflag:$0x4] =	stream.indirect_vreg.gather [hbm4b:s8+s4], $0x80, v4, vm0, $0xb8;
	[tilespmem:$0x18300] =	vst v63  }
0x179: {  	s31 =	simm.s32 $0x13980  }
0x17a: {  	[tilespmem:s31], [sflag:$0x4] =	stream.indirect_vreg.gather [hbm4b:s1+s4], $0x80, v3, vm0, $0xb8;
	[tilespmem:$0x18300] =	vst v63  }
0x17b: {  	s3 =	simm.s32 $0x14180  }
0x17c: {  	[tilespmem:s3], [sflag:$0x4] =	stream.indirect_vreg.gather [hbm4b:s7+s4], $0x80, v3, vm0, $0xb8;
	[tilespmem:$0x18300] =	vst v63  }
0x17d: {  	s31 =	simm.s32 $0x14980  }
0x17e: {  	[tilespmem:s31], [sflag:$0x4] =	stream.indirect_vreg.gather [hbm4b:s8+s4], $0x80, v3, vm0, $0xb8;
	[tilespmem:$0x18300] =	vst v63  }
0x17f: {  	v3 =	vld [tilespmem:$0xF0];
	_ =	sdelay $0x4  }
0x180: {  	v55 =	vshrl.u32 v3, $0x3  }
0x181: {  	v4 =	vmul.u32 $0x30, v55  }
0x182: {  	v3 =	vand.u32 $0x7, v3  }
0x183: {  	v3 =	vor.u32 v3, v4  }
0x184: {  	v4 =	vperm.xlane v3, v0;
	_ =	sdelay $0x1  }
0x185: {  	v4 =	vadd.s32 v1, v4;
	_ =	sdelay $0x3  }
0x186: {  	s3 =	simm.s32 $0x15180;
	v3 =	vperm.xlane v3, v2  }
0x187: {  	[tilespmem:s3], [sflag:$0x4] =	stream.indirect_vreg.gather [hbm4b:s1+s4], $0x80, v4, vm0, $0xb8;
	[tilespmem:$0x18300] =	vst v63  }
0x188: {  	s31 =	simm.s32 $0x15980;
	v3 =	vadd.s32 v1, v3  }
0x189: {  	[tilespmem:s31], [sflag:$0x4] =	stream.indirect_vreg.gather [hbm4b:s7+s4], $0x80, v4, vm0, $0xb8;
	[tilespmem:$0x18300] =	vst v63  }
0x18a: {  	s3 =	simm.s32 $0x16180  }
0x18b: {  	[tilespmem:s3], [sflag:$0x4] =	stream.indirect_vreg.gather [hbm4b:s8+s4], $0x80, v4, vm0, $0xb8;
	[tilespmem:$0x18300] =	vst v63  }
0x18c: {  	s31 =	simm.s32 $0x16980  }
0x18d: {  	[tilespmem:s31], [sflag:$0x4] =	stream.indirect_vreg.gather [hbm4b:s1+s4], $0x80, v3, vm0, $0xb8;
	[tilespmem:$0x18300] =	vst v63  }
0x18e: {  	s3 =	simm.s32 $0x17180  }
0x18f: {  	[tilespmem:s3], [sflag:$0x4] =	stream.indirect_vreg.gather [hbm4b:s7+s4], $0x80, v3, vm0, $0xb8;
	[tilespmem:$0x18300] =	vst v63  }
0x190: {  	s0 =	rddreg [dreg:$0x1b];
	s3 =	simm.s32 $0x17980  }
0x191: {  	[tilespmem:s3], [sflag:$0x4] =	stream.indirect_vreg.gather [hbm4b:s8+s4], $0x80, v3, vm0, $0xb8;
	[tilespmem:$0x18300] =	vst v63  }
0x192: {  	s31 =	rddreg [dreg:$0x1c]  }
0x193: {  	[tilespmem:s31], [sflag:$0x9] =	stream.indirect.gather [hbm4b:s2+s26], $0x1, s0, s26, $0xb8;
	[tilespmem:$0x18300] =	vst v63  }
0x194: {  	_ =	swait.ge [sflag:s18], $0x6000  }
0x195: {  	[sflag:s18] =	ssyncset.done $0x0  }
0x196: {  	s31 =	rddreg [dreg:$0xc];
	[sflag:s18] =	ssyncadd.s32 $0xFFFFA000  }
0x197: {  	[hbm4b:s31+s4] =	stream.linear.scatter [tilespmem:s30], [sflag:$0x6], $0x6000, $0x38;
	[tilespmem:$0x18300] =	vst v63  }
0x198: {  	_ =	swait.ge [sflag:s19], $0x6000  }
0x199: {  	[sflag:s19] =	ssyncset.done $0x0  }
0x19a: {  	[sflag:s19] =	ssyncadd.s32 $0xFFFFA000  }
0x19b: {  	v3 =	vld [tilespmem:$0x100];
	_ =	sdelay $0x4  }
0x19c: {  	v56 =	vshrl.u32 v3, $0x3  }
0x19d: {  	v4 =	vmul.u32 $0x30, v56  }
0x19e: {  	v3 =	vand.u32 $0x7, v3  }
0x19f: {  	v3 =	vor.u32 v3, v4  }
0x1a0: {  	v4 =	vperm.xlane v3, v0;
	_ =	sdelay $0x1  }
0x1a1: {  	v4 =	vadd.s32 v1, v4;
	_ =	sdelay $0x3  }
0x1a2: {  	v3 =	vperm.xlane v3, v2  }
0x1a3: {  	[tilespmem:s24], [sflag:$0x1] =	stream.indirect_vreg.gather [hbm4b:s1+s4], $0x80, v4, vm0, $0xb8;
	[tilespmem:$0x18300] =	vst v63  }
0x1a4: {  	s3 =	simm.s32 $0x980;
	v3 =	vadd.s32 v1, v3  }
0x1a5: {  	[tilespmem:s3], [sflag:$0x1] =	stream.indirect_vreg.gather [hbm4b:s7+s4], $0x80, v4, vm0, $0xb8;
	[tilespmem:$0x18300] =	vst v63  }
0x1a6: {  	s31 =	simm.s32 $0x1180  }
0x1a7: {  	[tilespmem:s31], [sflag:$0x1] =	stream.indirect_vreg.gather [hbm4b:s8+s4], $0x80, v4, vm0, $0xb8;
	[tilespmem:$0x18300] =	vst v63  }
0x1a8: {  	s3 =	simm.s32 $0x1980  }
0x1a9: {  	[tilespmem:s3], [sflag:$0x1] =	stream.indirect_vreg.gather [hbm4b:s1+s4], $0x80, v3, vm0, $0xb8;
	[tilespmem:$0x18300] =	vst v63  }
0x1aa: {  	s31 =	simm.s32 $0x2180  }
0x1ab: {  	[tilespmem:s31], [sflag:$0x1] =	stream.indirect_vreg.gather [hbm4b:s7+s4], $0x80, v3, vm0, $0xb8;
	[tilespmem:$0x18300] =	vst v63  }
0x1ac: {  	s15 =	simm.s32 $0x2980  }
0x1ad: {  	[tilespmem:s15], [sflag:$0x1] =	stream.indirect_vreg.gather [hbm4b:s8+s4], $0x80, v3, vm0, $0xb8;
	[tilespmem:$0x18300] =	vst v63  }
0x1ae: {  	v3 =	vld [tilespmem:$0x110];
	_ =	sdelay $0x4  }
0x1af: {  	v57 =	vshrl.u32 v3, $0x3  }
0x1b0: {  	v4 =	vmul.u32 $0x30, v57  }
0x1b1: {  	v3 =	vand.u32 $0x7, v3  }
0x1b2: {  	v3 =	vor.u32 v3, v4  }
0x1b3: {  	v4 =	vperm.xlane v3, v0;
	_ =	sdelay $0x1  }
0x1b4: {  	v4 =	vadd.s32 v1, v4;
	_ =	sdelay $0x3  }
0x1b5: {  	s29 =	simm.s32 $0x3180;
	v3 =	vperm.xlane v3, v2  }
0x1b6: {  	[tilespmem:s29], [sflag:$0x1] =	stream.indirect_vreg.gather [hbm4b:s1+s4], $0x80, v4, vm0, $0xb8;
	[tilespmem:$0x18300] =	vst v63  }
0x1b7: {  	s16 =	simm.s32 $0x3980;
	v3 =	vadd.s32 v1, v3  }
0x1b8: {  	[tilespmem:s16], [sflag:$0x1] =	stream.indirect_vreg.gather [hbm4b:s7+s4], $0x80, v4, vm0, $0xb8;
	[tilespmem:$0x18300] =	vst v63  }
0x1b9: {  	s3 =	simm.s32 $0x4180  }
0x1ba: {  	[tilespmem:s3], [sflag:$0x1] =	stream.indirect_vreg.gather [hbm4b:s8+s4], $0x80, v4, vm0, $0xb8;
	[tilespmem:$0x18300] =	vst v63  }
0x1bb: {  	s11 =	simm.s32 $0x4980  }
0x1bc: {  	[tilespmem:s11], [sflag:$0x1] =	stream.indirect_vreg.gather [hbm4b:s1+s4], $0x80, v3, vm0, $0xb8;
	[tilespmem:$0x18300] =	vst v63  }
0x1bd: {  	s12 =	simm.s32 $0x5180  }
0x1be: {  	[tilespmem:s12], [sflag:$0x1] =	stream.indirect_vreg.gather [hbm4b:s7+s4], $0x80, v3, vm0, $0xb8;
	[tilespmem:$0x18300] =	vst v63  }
0x1bf: {  	s15 =	rddreg [dreg:$0x1d];
	s29 =	simm.s32 $0x5980  }
0x1c0: {  	[tilespmem:s29], [sflag:$0x1] =	stream.indirect_vreg.gather [hbm4b:s8+s4], $0x80, v3, vm0, $0xb8;
	[tilespmem:$0x18300] =	vst v63  }
0x1c1: {  	s16 =	rddreg [dreg:$0x1e]  }
0x1c2: {  	[tilespmem:s16], [sflag:$0x9] =	stream.indirect.gather [hbm4b:s2+s26], $0x1, s15, s26, $0xb8;
	[tilespmem:$0x18300] =	vst v63  }
0x1c3: {  	_ =	swait.ge [sflag:s20], $0x6000  }
0x1c4: {  	[sflag:s20] =	ssyncset.done $0x0  }
0x1c5: {  	s31 =	rddreg [dreg:$0xd];
	[sflag:s20] =	ssyncadd.s32 $0xFFFFA000  }
0x1c6: {  	[hbm4b:s31+s4] =	stream.linear.scatter [tilespmem:s5], [sflag:$0x7], $0x6000, $0x38;
	[tilespmem:$0x18300] =	vst v63  }
0x1c7: {  	_ =	swait.ge [sflag:s21], $0x6000  }
0x1c8: {  	[sflag:s21] =	ssyncset.done $0x0  }
0x1c9: {  	[sflag:s21] =	ssyncadd.s32 $0xFFFFA000  }
0x1ca: {  	v3 =	vld [tilespmem:$0x120];
	_ =	sdelay $0x4  }
0x1cb: {  	v58 =	vshrl.u32 v3, $0x3  }
0x1cc: {  	v4 =	vmul.u32 $0x30, v58  }
0x1cd: {  	v3 =	vand.u32 $0x7, v3  }
0x1ce: {  	v3 =	vor.u32 v3, v4  }
0x1cf: {  	v4 =	vperm.xlane v3, v0;
	_ =	sdelay $0x1  }
0x1d0: {  	v4 =	vadd.s32 v1, v4;
	_ =	sdelay $0x3  }
0x1d1: {  	v3 =	vperm.xlane v3, v2  }
0x1d2: {  	[tilespmem:s30], [sflag:$0x2] =	stream.indirect_vreg.gather [hbm4b:s1+s4], $0x80, v4, vm0, $0xb8;
	[tilespmem:$0x18300] =	vst v63  }
0x1d3: {  	s3 =	simm.s32 $0x6980;
	v3 =	vadd.s32 v1, v3  }
0x1d4: {  	[tilespmem:s3], [sflag:$0x2] =	stream.indirect_vreg.gather [hbm4b:s7+s4], $0x80, v4, vm0, $0xb8;
	[tilespmem:$0x18300] =	vst v63  }
0x1d5: {  	s11 =	simm.s32 $0x7180  }
0x1d6: {  	[tilespmem:s11], [sflag:$0x2] =	stream.indirect_vreg.gather [hbm4b:s8+s4], $0x80, v4, vm0, $0xb8;
	[tilespmem:$0x18300] =	vst v63  }
0x1d7: {  	s12 =	simm.s32 $0x7980  }
0x1d8: {  	[tilespmem:s12], [sflag:$0x2] =	stream.indirect_vreg.gather [hbm4b:s1+s4], $0x80, v3, vm0, $0xb8;
	[tilespmem:$0x18300] =	vst v63  }
0x1d9: {  	s15 =	simm.s32 $0x8180  }
0x1da: {  	[tilespmem:s15], [sflag:$0x2] =	stream.indirect_vreg.gather [hbm4b:s7+s4], $0x80, v3, vm0, $0xb8;
	[tilespmem:$0x18300] =	vst v63  }
0x1db: {  	s16 =	simm.s32 $0x8980  }
0x1dc: {  	[tilespmem:s16], [sflag:$0x2] =	stream.indirect_vreg.gather [hbm4b:s8+s4], $0x80, v3, vm0, $0xb8;
	[tilespmem:$0x18300] =	vst v63  }
0x1dd: {  	v3 =	vld [tilespmem:$0x130];
	_ =	sdelay $0x4  }
0x1de: {  	v59 =	vshrl.u32 v3, $0x3  }
0x1df: {  	v4 =	vmul.u32 $0x30, v59  }
0x1e0: {  	v3 =	vand.u32 $0x7, v3  }
0x1e1: {  	v3 =	vor.u32 v3, v4  }
0x1e2: {  	v4 =	vperm.xlane v3, v0;
	_ =	sdelay $0x1  }
0x1e3: {  	v4 =	vadd.s32 v1, v4;
	_ =	sdelay $0x3  }
0x1e4: {  	s29 =	simm.s32 $0x9180;
	v3 =	vperm.xlane v3, v2  }
0x1e5: {  	[tilespmem:s29], [sflag:$0x2] =	stream.indirect_vreg.gather [hbm4b:s1+s4], $0x80, v4, vm0, $0xb8;
	[tilespmem:$0x18300] =	vst v63  }
0x1e6: {  	s31 =	simm.s32 $0x9980;
	v3 =	vadd.s32 v1, v3  }
0x1e7: {  	[tilespmem:s31], [sflag:$0x2] =	stream.indirect_vreg.gather [hbm4b:s7+s4], $0x80, v4, vm0, $0xb8;
	[tilespmem:$0x18300] =	vst v63  }
0x1e8: {  	s3 =	simm.s32 $0xA180  }
0x1e9: {  	[tilespmem:s3], [sflag:$0x2] =	stream.indirect_vreg.gather [hbm4b:s8+s4], $0x80, v4, vm0, $0xb8;
	[tilespmem:$0x18300] =	vst v63  }
0x1ea: {  	s11 =	simm.s32 $0xA980  }
0x1eb: {  	[tilespmem:s11], [sflag:$0x2] =	stream.indirect_vreg.gather [hbm4b:s1+s4], $0x80, v3, vm0, $0xb8;
	[tilespmem:$0x18300] =	vst v63  }
0x1ec: {  	s12 =	simm.s32 $0xB180  }
0x1ed: {  	[tilespmem:s12], [sflag:$0x2] =	stream.indirect_vreg.gather [hbm4b:s7+s4], $0x80, v3, vm0, $0xb8;
	[tilespmem:$0x18300] =	vst v63  }
0x1ee: {  	s16 =	sld [smem:$0x7F7];
	s29 =	simm.s32 $0xB980  }
0x1ef: {  	[tilespmem:s29], [sflag:$0x2] =	stream.indirect_vreg.gather [hbm4b:s8+s4], $0x80, v3, vm0, $0xb8;
	[tilespmem:$0x18300] =	vst v63  }
0x1f0: {  	s15 =	rddreg [dreg:$0x1f]  }
0x1f1: {  	[tilespmem:s16], [sflag:$0x9] =	stream.indirect.gather [hbm4b:s2+s26], $0x1, s15, s26, $0xb8;
	[tilespmem:$0x18300] =	vst v63  }
0x1f2: {  	_ =	swait.ge [sflag:s22], $0x6000  }
0x1f3: {  	[sflag:s22] =	ssyncset.done $0x0  }
0x1f4: {  	s3 =	rddreg [dreg:$0xe];
	[sflag:s22] =	ssyncadd.s32 $0xFFFFA000  }
0x1f5: {  	[hbm4b:s3+s4] =	stream.linear.scatter [tilespmem:s28], [sflag:$0x8], $0x6000, $0x38;
	[tilespmem:$0x18300] =	vst v63  }
0x1f6: {  	_ =	swait.ge [sflag:s23], $0x6000  }
0x1f7: {  	[sflag:s23] =	ssyncset.done $0x0  }
0x1f8: {  	[sflag:s23] =	ssyncadd.s32 $0xFFFFA000  }
0x1f9: {  	v3 =	vld [tilespmem:$0x140];
	_ =	sdelay $0x4  }
0x1fa: {  	v60 =	vshrl.u32 v3, $0x3  }
0x1fb: {  	v4 =	vmul.u32 $0x30, v60  }
0x1fc: {  	v3 =	vand.u32 $0x7, v3  }
0x1fd: {  	v3 =	vor.u32 v3, v4  }
0x1fe: {  	v4 =	vperm.xlane v3, v0;
	_ =	sdelay $0x1  }
0x1ff: {  	v4 =	vadd.s32 v1, v4;
	_ =	sdelay $0x3  }
0x200: {  	v3 =	vperm.xlane v3, v2  }
0x201: {  	[tilespmem:s5], [sflag:$0x3] =	stream.indirect_vreg.gather [hbm4b:s1+s4], $0x80, v4, vm0, $0xb8;
	[tilespmem:$0x18300] =	vst v63  }
0x202: {  	s13 =	simm.s32 $0xC980;
	v3 =	vadd.s32 v1, v3  }
0x203: {  	[tilespmem:s13], [sflag:$0x3] =	stream.indirect_vreg.gather [hbm4b:s7+s4], $0x80, v4, vm0, $0xb8;
	[tilespmem:$0x18300] =	vst v63  }
0x204: {  	s14 =	simm.s32 $0xD180  }
0x205: {  	[tilespmem:s14], [sflag:$0x3] =	stream.indirect_vreg.gather [hbm4b:s8+s4], $0x80, v4, vm0, $0xb8;
	[tilespmem:$0x18300] =	vst v63  }
0x206: {  	s17 =	simm.s32 $0xD980  }
0x207: {  	[tilespmem:s17], [sflag:$0x3] =	stream.indirect_vreg.gather [hbm4b:s1+s4], $0x80, v3, vm0, $0xb8;
	[tilespmem:$0x18300] =	vst v63  }
0x208: {  	s11 =	simm.s32 $0xE180  }
0x209: {  	[tilespmem:s11], [sflag:$0x3] =	stream.indirect_vreg.gather [hbm4b:s7+s4], $0x80, v3, vm0, $0xb8;
	[tilespmem:$0x18300] =	vst v63  }
0x20a: {  	s12 =	simm.s32 $0xE980  }
0x20b: {  	[tilespmem:s12], [sflag:$0x3] =	stream.indirect_vreg.gather [hbm4b:s8+s4], $0x80, v3, vm0, $0xb8;
	[tilespmem:$0x18300] =	vst v63  }
0x20c: {  	v3 =	vld [tilespmem:$0x150];
	_ =	sdelay $0x4  }
0x20d: {  	v61 =	vshrl.u32 v3, $0x3  }
0x20e: {  	v4 =	vmul.u32 $0x30, v61  }
0x20f: {  	v3 =	vand.u32 $0x7, v3  }
0x210: {  	v3 =	vor.u32 v3, v4  }
0x211: {  	v4 =	vperm.xlane v3, v0;
	_ =	sdelay $0x1  }
0x212: {  	v4 =	vadd.s32 v1, v4;
	_ =	sdelay $0x3  }
0x213: {  	s13 =	simm.s32 $0xF180;
	v3 =	vperm.xlane v3, v2  }
0x214: {  	[tilespmem:s13], [sflag:$0x3] =	stream.indirect_vreg.gather [hbm4b:s1+s4], $0x80, v4, vm0, $0xb8;
	[tilespmem:$0x18300] =	vst v63  }
0x215: {  	s14 =	simm.s32 $0xF980;
	v3 =	vadd.s32 v1, v3  }
0x216: {  	[tilespmem:s14], [sflag:$0x3] =	stream.indirect_vreg.gather [hbm4b:s7+s4], $0x80, v4, vm0, $0xb8;
	[tilespmem:$0x18300] =	vst v63  }
0x217: {  	s15 =	simm.s32 $0x10180  }
0x218: {  	[tilespmem:s15], [sflag:$0x3] =	stream.indirect_vreg.gather [hbm4b:s8+s4], $0x80, v4, vm0, $0xb8;
	[tilespmem:$0x18300] =	vst v63  }
0x219: {  	s16 =	simm.s32 $0x10980  }
0x21a: {  	[tilespmem:s16], [sflag:$0x3] =	stream.indirect_vreg.gather [hbm4b:s1+s4], $0x80, v3, vm0, $0xb8;
	[tilespmem:$0x18300] =	vst v63  }
0x21b: {  	s17 =	simm.s32 $0x11180  }
0x21c: {  	[tilespmem:s17], [sflag:$0x3] =	stream.indirect_vreg.gather [hbm4b:s7+s4], $0x80, v3, vm0, $0xb8;
	[tilespmem:$0x18300] =	vst v63  }
0x21d: {  	s29 =	simm.s32 $0x11980  }
0x21e: {  	[tilespmem:s29], [sflag:$0x3] =	stream.indirect_vreg.gather [hbm4b:s8+s4], $0x80, v3, vm0, $0xb8;
	[tilespmem:$0x18300] =	vst v63  }
0x21f: {  	s31 =	simm.s32 $0x100;
	s11 =	simm.s32 $0x18280  }
0x220: {  	[tilespmem:s11], [sflag:$0x9] =	stream.indirect.gather [hbm4b:s2+s26], $0x1, s31, s26, $0xb8;
	[tilespmem:$0x18300] =	vst v63  }
0x221: {  	_ =	swait.ge [sflag:s6], $0x6000  }
0x222: {  	s3 =	sld [smem:$0x7F6]  }
0x223: {  	[sflag:s6] =	ssyncset.done $0x0  }
0x224: {  	[sflag:s6] =	ssyncadd.s32 $0xFFFFA000  }
0x225: {  	[hbm4b:s3+s4] =	stream.linear.scatter [tilespmem:s24], [sflag:$0x5], $0x6000, $0x38;
	[tilespmem:$0x18300] =	vst v63  }
0x226: {  	_ =	swait.ge [sflag:s25], $0x6000  }
0x227: {  	[sflag:s25] =	ssyncset.done $0x0  }
0x228: {  	[sflag:s25] =	ssyncadd.s32 $0xFFFFA000  }
0x229: {  	v3 =	vld [tilespmem:$0x160];
	_ =	sdelay $0x4  }
0x22a: {  	v62 =	vshrl.u32 v3, $0x3  }
0x22b: {  	v4 =	vmul.u32 $0x30, v62  }
0x22c: {  	v3 =	vand.u32 $0x7, v3  }
0x22d: {  	v3 =	vor.u32 v3, v4  }
0x22e: {  	v4 =	vperm.xlane v3, v0;
	_ =	sdelay $0x1  }
0x22f: {  	v4 =	vadd.s32 v1, v4;
	_ =	sdelay $0x3  }
0x230: {  	v3 =	vperm.xlane v3, v2  }
0x231: {  	[tilespmem:s28], [sflag:$0x4] =	stream.indirect_vreg.gather [hbm4b:s1+s4], $0x80, v4, vm0, $0xb8;
	[tilespmem:$0x18300] =	vst v63  }
0x232: {  	s12 =	simm.s32 $0x12980;
	v3 =	vadd.s32 v1, v3  }
0x233: {  	[tilespmem:s12], [sflag:$0x4] =	stream.indirect_vreg.gather [hbm4b:s7+s4], $0x80, v4, vm0, $0xb8;
	[tilespmem:$0x18300] =	vst v63  }
0x234: {  	s13 =	simm.s32 $0x13180  }
0x235: {  	[tilespmem:s13], [sflag:$0x4] =	stream.indirect_vreg.gather [hbm4b:s8+s4], $0x80, v4, vm0, $0xb8;
	[tilespmem:$0x18300] =	vst v63  }
0x236: {  	s14 =	simm.s32 $0x13980  }
0x237: {  	[tilespmem:s14], [sflag:$0x4] =	stream.indirect_vreg.gather [hbm4b:s1+s4], $0x80, v3, vm0, $0xb8;
	[tilespmem:$0x18300] =	vst v63  }
0x238: {  	s15 =	simm.s32 $0x14180  }
0x239: {  	[tilespmem:s15], [sflag:$0x4] =	stream.indirect_vreg.gather [hbm4b:s7+s4], $0x80, v3, vm0, $0xb8;
	[tilespmem:$0x18300] =	vst v63  }
0x23a: {  	s16 =	simm.s32 $0x14980  }
0x23b: {  	[tilespmem:s16], [sflag:$0x4] =	stream.indirect_vreg.gather [hbm4b:s8+s4], $0x80, v3, vm0, $0xb8;
	[tilespmem:$0x18300] =	vst v63  }
0x23c: {  	v3 =	vld [tilespmem:$0x170];
	_ =	sdelay $0x4  }
0x23d: {  	v63 =	vshrl.u32 v3, $0x3  }
0x23e: {  	v4 =	vmul.u32 $0x30, v63  }
0x23f: {  	v3 =	vand.u32 $0x7, v3  }
0x240: {  	v3 =	vor.u32 v3, v4  }
0x241: {  	v4 =	vperm.xlane v3, v0;
	_ =	sdelay $0x1  }
0x242: {  	v4 =	vadd.s32 v1, v4;
	_ =	sdelay $0x3  }
0x243: {  	s17 =	simm.s32 $0x15180;
	v3 =	vperm.xlane v3, v2  }
0x244: {  	[tilespmem:s17], [sflag:$0x4] =	stream.indirect_vreg.gather [hbm4b:s1+s4], $0x80, v4, vm0, $0xb8;
	[tilespmem:$0x18300] =	vst v63  }
0x245: {  	s29 =	simm.s32 $0x15980;
	v3 =	vadd.s32 v1, v3  }
0x246: {  	[tilespmem:s29], [sflag:$0x4] =	stream.indirect_vreg.gather [hbm4b:s7+s4], $0x80, v4, vm0, $0xb8;
	[tilespmem:$0x18300] =	vst v63  }
0x247: {  	s31 =	simm.s32 $0x16180  }
0x248: {  	[tilespmem:s31], [sflag:$0x4] =	stream.indirect_vreg.gather [hbm4b:s8+s4], $0x80, v4, vm0, $0xb8;
	[tilespmem:$0x18300] =	vst v63  }
0x249: {  	s3 =	simm.s32 $0x16980  }
0x24a: {  	[tilespmem:s3], [sflag:$0x4] =	stream.indirect_vreg.gather [hbm4b:s1+s4], $0x80, v3, vm0, $0xb8;
	[tilespmem:$0x18300] =	vst v63  }
0x24b: {  	s12 =	simm.s32 $0x17180;
	s13 =	sld [smem:$0x7F8]  }
0x24c: {  	[tilespmem:s12], [sflag:$0x4] =	stream.indirect_vreg.gather [hbm4b:s7+s4], $0x80, v3, vm0, $0xb8;
	[tilespmem:$0x18300] =	vst v63  }
0x24d: {  	s14 =	sld [smem:$0x7F9];
	s15 =	simm.s32 $0x17980  }
0x24e: {  	[tilespmem:s15], [sflag:$0x4] =	stream.indirect_vreg.gather [hbm4b:s8+s4], $0x80, v3, vm0, $0xb8;
	[tilespmem:$0x18300] =	vst v63  }
0x24f: {  	_ = 	snop  }
0x250: {  	[tilespmem:s14], [sflag:$0x9] =	stream.indirect.gather [hbm4b:s2+s26], $0x1, s13, s26, $0xb8;
	[tilespmem:$0x18300] =	vst v63  }
0x251: {  	_ =	swait.ge [sflag:s18], $0x6000  }
0x252: {  	s16 =	rddreg [dreg:$0xf]  }
0x253: {  	[sflag:s18] =	ssyncset.done $0x0;
	s17 =	sld [smem:$0x7FA]  }
0x254: {  	s29 =	sld [smem:$0x7FB];
	[sflag:s18] =	ssyncadd.s32 $0xFFFFA000  }
0x255: {  	[hbm4b:s16+s4] =	stream.linear.scatter [tilespmem:s30], [sflag:$0x6], $0x6000, $0x38;
	[tilespmem:$0x18300] =	vst v63  }
0x256: {  	_ = 	snop  }
0x257: {  	[tilespmem:s29], [sflag:$0x9] =	stream.indirect.gather [hbm4b:s2+s26], $0x1, s17, s26, $0xb8;
	[tilespmem:$0x18300] =	vst v63  }
0x258: {  	_ =	swait.ge [sflag:s20], $0x6000  }
0x259: {  	s12 =	rddreg [dreg:$0x10]  }
0x25a: {  	[sflag:s20] =	ssyncset.done $0x0;
	s13 =	sld [smem:$0x7FC]  }
0x25b: {  	s14 =	sld [smem:$0x7FD];
	[sflag:s20] =	ssyncadd.s32 $0xFFFFA000  }
0x25c: {  	[hbm4b:s12+s4] =	stream.linear.scatter [tilespmem:s5], [sflag:$0x7], $0x6000, $0x38;
	[tilespmem:$0x18300] =	vst v63  }
0x25d: {  	_ = 	snop  }
0x25e: {  	[tilespmem:s14], [sflag:$0x9] =	stream.indirect.gather [hbm4b:s2+s26], $0x1, s13, s26, $0xb8;
	[tilespmem:$0x18300] =	vst v63  }
0x25f: {  	_ =	swait.ge [sflag:s22], $0x6000  }
0x260: {  	[sflag:s22] =	ssyncset.done $0x0  }
0x261: {  	s15 =	rddreg [dreg:$0x11];
	[sflag:s22] =	ssyncadd.s32 $0xFFFFA000  }
0x262: {  	[hbm4b:s15+s4] =	stream.linear.scatter [tilespmem:s28], [sflag:$0x8], $0x6000, $0x38;
	[tilespmem:$0x18300] =	vst v63  }
0x263: {  	_ =	swait.ge [sflag:s19], $0x6000  }
0x264: {  	[sflag:s19] =	ssyncset.done $0x0  }
0x265: {  	[sflag:s19] =	ssyncadd.s32 $0xFFFFA000  }
0x266: {  	_ =	swait.ge [sflag:s21], $0x6000  }
0x267: {  	[sflag:s21] =	ssyncset.done $0x0  }
0x268: {  	[sflag:s21] =	ssyncadd.s32 $0xFFFFA000  }
0x269: {  	_ =	swait.ge [sflag:s23], $0x6000  }
0x26a: {  	[sflag:s23] =	ssyncset.done $0x0  }
0x26b: {  	[sflag:s23] =	ssyncadd.s32 $0xFFFFA000  }
0x26c: {  	_ =	swait.ge [sflag:s25], $0x6000  }
0x26d: {  	[sflag:s25] =	ssyncset.done $0x0  }
0x26e: {  	s16 =	simm.s32 $0x9;
	[sflag:s25] =	ssyncadd.s32 $0xFFFFA000  }
0x26f: {  	_ =	swait.ge [sflag:s16], $0x100  }
0x270: {  	[sflag:s16] =	ssyncset.done $0x0  }
0x271: {  	[sflag:s16] =	ssyncadd.s32 $0xFFFFFF00  }
0x272: {  	_ =	swait.ge [sflag:s16], $0x80  }
0x273: {  	[sflag:s16] =	ssyncset.done $0x0  }
0x274: {  	s29 =	simm.s32 $0x18180;
	s17 =	rddreg [dreg:$0x12];
	[sflag:s16] =	ssyncadd.s32 $0xFFFFFF80  }
0x275: {  	[hbm4b:s17+s4] =	stream.linear.scatter [tilespmem:s29], [sflag:$0xA], $0x100, $0x38;
	[tilespmem:$0x18300] =	vst v63  }
0x276: {  	_ =	swait.ge [sflag:s10], $0x100  }
0x277: {  	p0 =	sne.s32 s9, $0x1;
	[sflag:s10] =	ssyncset.done $0x0  }
.Ltmp0:
0x278: {  	s31 =	rddreg [dreg:$0x13];
	[sflag:s10] =	ssyncadd.s32 $0xFFFFFF00;
	(pc) =	sbr.rel @p0 .LBB2_1-.Ltmp0, $4  }
0x279: {  	[hbm4b:s31+s4] =	stream.linear.scatter [tilespmem:s11], [sflag:$0xA], $0x80, $0x38;
	[tilespmem:$0x18300] =	vst v63  }
0x27a: {  	_ =	swait.ge [sflag:s10], $0x80  }
0x27b: {  	[sflag:s10] =	ssyncset.done $0x0  }
0x27c: {  	s9 =	sadd.s32 $0xFFFFFFFF, s9;
	[sflag:s10] =	ssyncadd.s32 $0xFFFFFF80  }
0x27d: {  	_ =	sfence.sel $0x180000  }
0x27e: {  	[bflag:$0x0] =	sbarrier.arrive $0xFFFF  }
0x27f: {  	_ =	strace $0x90000047  }
0x280: {  	s0 =	stileid.u32;
	[bflag:$0x2] =	sbarrier.arrive $0xFFFF  }
0x281: {  	p0 =	sne.s32 s0, $0x0;
	s0 =	rddreg [dreg:$0x5]  }
0x282: {  	s0 =	sadd.s32 @!p0 $0x100000, s0  }
0x283: {  	[sflag:s0] =	ssyncadd.tile.s32 @!p0 $0x1;
	_ =	shalt  }
.Lfunc_end2:
_tile_overlayer_lowered:
.L_overlay_start_2:
0x284: {  	(tag) =	ssettag $0x2  }
0x285: {  	s0 =	rddreg [dreg:$0x0];
	s2 =	stileid.u32  }
0x286: {  	s1 =	rddreg [dreg:$0x1];
	p0 =	sne.s32 s2, $0x0  }
0x287: {  	s3 =	rddreg [dreg:$0x2];
	[bflag:$0x3] =	sbarrier.arrive $0xFFFF;
	s2 =	simm.s32 @!p0 $0x1C0A  }
0x288: {  	[timem:s3], [sflag:s2] =	dma.local @!p0 [hbm:s0], s1  }
0x289: {  	s0 =	simm.s32 @!p0 $0xA  }
0x28a: {  	_ =	swait.ge @!p0 [sflag:s0], s1  }
0x28b: {  	s1 =	ssub.s32 @!p0 $0x0, s1;
	[sflag:s0] =	ssyncset.done @!p0 $0x0  }
0x28c: {  	[sflag:s0] =	ssyncadd.s32 @!p0 s1  }
0x28d: {  	[bflag:$0x3] =	sbarrier.arrive $0xFFFF  }
0x28e: {  	_ =	shalt  }

</sc_bundles>
